<compile_context>
chip_gen: v7x
topology: tpu7x:2x2x1
jax: 0.10.2.dev20260603
libtpu: 0.0.44.dev20260713+nightly
codegen_flags: <defaults>
</compile_context>

<pallas_src>
import functools

import jax
import jax.numpy as jnp
from jax import lax
from jax.experimental import pallas as pl
from jax.experimental.pallas import tpu as pltpu, tpu_sc as plsc

VOCAB = 20000
EMB = 1024
HID = 1024
FEAT = 1024
K = 36
OUT = 3000
B = 512
S = 20

F32 = jnp.float32
BF16 = jnp.bfloat16



def _sc_gather(table, idx):
    n = idx.shape[0]
    info = plsc.get_sparse_core_info()
    nc, ns = info.num_cores, info.num_subcores
    nw = nc * ns
    assert n % nw == 0
    b_per_w = n // nw
    chunk = 64
    assert b_per_w % chunk == 0
    n_chunks = b_per_w // chunk

    mesh = plsc.VectorSubcoreMesh(core_axis_name="c", subcore_axis_name="s")

    @functools.partial(
        pl.kernel,
        mesh=mesh,
        out_type=jax.ShapeDtypeStruct((n, EMB), F32),
        scratch_types=[
            pltpu.VMEM((chunk,), jnp.int32),
            pltpu.VMEM((chunk, EMB), F32),
            pltpu.SemaphoreType.DMA,
        ],
    )
    def gather_k(idx_hbm, table_hbm, out_hbm, idx_v, rows_v, sem):
        wid = lax.axis_index("s") * nc + lax.axis_index("c")
        base = wid * b_per_w
        for c in range(n_chunks):
            off = base + c * chunk
            pltpu.sync_copy(idx_hbm.at[pl.ds(off, chunk)], idx_v)
            pltpu.async_copy(table_hbm.at[idx_v], rows_v, sem).wait()
            pltpu.sync_copy(rows_v, out_hbm.at[pl.ds(off, chunk)])

    return gather_k(idx, table)



def _gru_body(xc_ref, xn_ref, wih_ref, whh_ref, bih_ref, bhh_ref, out_ref,
              h_ref, gi_ref):
    t = pl.program_id(0)

    @pl.when(t == 0)
    def _():
        h_ref[...] = jnp.zeros_like(h_ref)
        gi_ref[...] = jnp.dot(xc_ref[0].astype(BF16), wih_ref[...],
                              preferred_element_type=F32)

    gi = gi_ref[...] + bih_ref[0]
    h = h_ref[...]
    gh = jnp.dot(h.astype(BF16), whh_ref[...],
                 preferred_element_type=F32) + bhh_ref[0]
    gi_ref[...] = jnp.dot(xn_ref[0].astype(BF16), wih_ref[...],
                          preferred_element_type=F32)
    r = jax.nn.sigmoid(gi[:, :HID] + gh[:, :HID])
    z = jax.nn.sigmoid(gi[:, HID:2 * HID] + gh[:, HID:2 * HID])
    n = jnp.tanh(gi[:, 2 * HID:] + r * gh[:, 2 * HID:])
    hn = n + z * (h - n)
    h_ref[...] = hn
    out_ref[...] = hn


def _gru(x, wih_t, whh_t, b_ih, b_hh):
    return pl.pallas_call(
        _gru_body,
        grid=(S,),
        in_specs=[
            pl.BlockSpec((1, B, EMB), lambda t: (t, 0, 0)),
            pl.BlockSpec((1, B, EMB),
                         lambda t: (jnp.minimum(t + 1, S - 1), 0, 0)),
            pl.BlockSpec((EMB, 3 * HID), lambda t: (0, 0)),
            pl.BlockSpec((HID, 3 * HID), lambda t: (0, 0)),
            pl.BlockSpec((1, 3 * HID), lambda t: (0, 0)),
            pl.BlockSpec((1, 3 * HID), lambda t: (0, 0)),
        ],
        out_specs=pl.BlockSpec((B, HID), lambda t: (0, 0)),
        out_shape=jax.ShapeDtypeStruct((B, HID), F32),
        scratch_shapes=[
            pltpu.VMEM((B, HID), F32),
            pltpu.VMEM((B, 3 * HID), F32),
        ],
        compiler_params=pltpu.CompilerParams(
            dimension_semantics=("arbitrary",),
        ),
    )(x, x, wih_t, whh_t, b_ih, b_hh)



_BB = 32


def _attn_body(img_ref, q_ref, w1a_ref, w1b_ref, b1_ref, w2_ref, ctx_ref):
    x = img_ref[...]
    recip = 1.0 / jnp.abs(x)
    nsum = jnp.sum(recip, axis=0)
    norm = jnp.maximum(1.0 / nsum, 1e-12)
    img = x / norm[None]

    q = q_ref[...]
    qw = jnp.dot(q.astype(BF16), w1b_ref[...],
                 preferred_element_type=F32)
    img2 = img.reshape(K * _BB, FEAT).astype(BF16)
    c1 = jnp.dot(img2, w1a_ref[...], preferred_element_type=F32)
    c1 = c1.reshape(K, _BB, HID) + qw[None] + b1_ref[0][None, None]
    c1 = jax.nn.relu(c1)

    att = jnp.sum(c1 * w2_ref[0][None, None, :], axis=2)
    att = att - jnp.max(att, axis=0)[None]
    e = jnp.exp(att)
    att = e / jnp.sum(e, axis=0)[None]

    ctx_ref[...] = jnp.sum(att[:, :, None] * img, axis=0)


def _attn(img_t, q_enc, w1a, w1b, b1, w2row):
    nblk = B // _BB
    const = lambda i: (0, 0)
    return pl.pallas_call(
        _attn_body,
        grid=(nblk,),
        in_specs=[
            pl.BlockSpec((K, _BB, FEAT), lambda i: (0, i, 0)),
            pl.BlockSpec((_BB, HID), lambda i: (i, 0)),
            pl.BlockSpec((FEAT, HID), const),
            pl.BlockSpec((HID, HID), const),
            pl.BlockSpec((1, HID), const),
            pl.BlockSpec((1, HID), const),
        ],
        out_specs=pl.BlockSpec((_BB, FEAT), lambda i: (i, 0)),
        out_shape=jax.ShapeDtypeStruct((B, FEAT), F32),
        compiler_params=pltpu.CompilerParams(
            dimension_semantics=("parallel",),
        ),
    )(img_t, q_enc, w1a, w1b, b1, w2row)


def _head_body(ctx_ref, q_ref, w3a_ref, w3b_ref, b3_ref, w4_ref, b4_ref,
               w5_ref, b5_ref, out_ref):
    h1 = jax.nn.relu(
        jnp.dot(ctx_ref[...].astype(BF16), w3a_ref[...],
                preferred_element_type=F32)
        + jnp.dot(q_ref[...].astype(BF16), w3b_ref[...],
                  preferred_element_type=F32)
        + b3_ref[0]
    )
    h2 = jax.nn.relu(jnp.dot(h1.astype(BF16), w4_ref[...],
                             preferred_element_type=F32) + b4_ref[0])
    out_ref[...] = (jnp.dot(h2.astype(BF16), w5_ref[...],
                            preferred_element_type=F32) + b5_ref[0])


def _head(ctx, q_enc, w3a, w3b, b3, w4, b4, w5, b5):
    return pl.pallas_call(
        _head_body,
        out_shape=jax.ShapeDtypeStruct((B, OUT), F32),
    )(ctx, q_enc, w3a, w3b, b3, w4, b4, w5, b5)



def kernel(question, image, wembed, gru_w_ih, gru_w_hh, gru_b_ih, gru_b_hh,
           W1, b1, W2, b2, W3, b3, W4, b4, W5, b5):
    idx = question.T.reshape(-1).astype(jnp.int32)
    img_t = jnp.transpose(image, (1, 0, 2))
    wih_t = gru_w_ih.T.astype(BF16)
    whh_t = gru_w_hh.T.astype(BF16)
    bih = gru_b_ih.reshape(1, 3 * HID)
    bhh = gru_b_hh.reshape(1, 3 * HID)
    w1a = W1[:FEAT].astype(BF16)
    w1b = W1[FEAT:].astype(BF16)
    w2row = W2.reshape(1, HID)
    w3a = W3[:FEAT].astype(BF16)
    w3b = W3[FEAT:].astype(BF16)
    b1r = b1.reshape(1, HID)
    b3r = b3.reshape(1, HID)
    b4r = b4.reshape(1, HID)
    b5r = b5.reshape(1, OUT)

    emb = _sc_gather(wembed, idx).reshape(S, B, EMB)

    q_enc = _gru(emb, wih_t, whh_t, bih, bhh)

    ctx = _attn(img_t, q_enc, w1a, w1b, b1r, w2row)
    return _head(ctx, q_enc, w3a, w3b, b3r, W4.astype(BF16), b4r,
                 W5.astype(BF16), b5r)

# --- scband reference (transcript-rebuilt; emitter-appended) ---
"""Pipeline reference for scband-base-line-model-57793079935524 (READ-ONLY COPY).

The authoritative reference and input builder live on the scoring server;
editing this copy changes nothing except your own understanding.
"""

import jax, jax.numpy as jnp
import numpy as np

VOCAB = 20000
EMB = 1024
HID = 1024
FEAT = 1024
K = 36
OUT = 3000
B = 512
S = 20


def setup_inputs(seed: int = 0) -> dict:
    key = jax.random.key(seed)
    ks = jax.random.split(key, 20)
    inp = {}
    inp["question"] = jax.random.randint(ks[0], (B, S), 0, VOCAB)
    inp["image"] = jax.random.normal(ks[1], (B, K, FEAT), dtype=jnp.float32)
    inp["wembed"] = jax.random.normal(ks[2], (VOCAB, EMB), dtype=jnp.float32) * 0.02
    inp["gru_w_ih"] = jax.random.normal(ks[3], (3 * HID, EMB), dtype=jnp.float32) * 0.02
    inp["gru_w_hh"] = jax.random.normal(ks[4], (3 * HID, HID), dtype=jnp.float32) * 0.02
    inp["gru_b_ih"] = jnp.zeros((3 * HID,), dtype=jnp.float32)
    inp["gru_b_hh"] = jnp.zeros((3 * HID,), dtype=jnp.float32)
    inp["W1"] = jax.random.normal(ks[5], (EMB + HID, HID), dtype=jnp.float32) * 0.02
    inp["b1"] = jnp.zeros((HID,), dtype=jnp.float32)
    inp["W2"] = jax.random.normal(ks[6], (HID, 1), dtype=jnp.float32) * 0.02
    inp["b2"] = jnp.zeros((1,), dtype=jnp.float32)
    inp["W3"] = jax.random.normal(ks[7], (HID + FEAT, HID), dtype=jnp.float32) * 0.02
    inp["b3"] = jnp.zeros((HID,), dtype=jnp.float32)
    inp["W4"] = jax.random.normal(ks[8], (HID, HID), dtype=jnp.float32) * 0.02
    inp["b4"] = jnp.zeros((HID,), dtype=jnp.float32)
    inp["W5"] = jax.random.normal(ks[9], (HID, OUT), dtype=jnp.float32) * 0.02
    inp["b5"] = jnp.zeros((OUT,), dtype=jnp.float32)
    return inp


def reference(question, image, wembed, gru_w_ih, gru_w_hh, gru_b_ih, gru_b_hh,
              W1, b1, W2, b2, W3, b3, W4, b4, W5, b5):
    # embedding lookup
    emb = jnp.take(wembed, question, axis=0)  # [B, S, EMB]
    x = jnp.transpose(emb, (1, 0, 2))  # [S, B, EMB] (seq-major like torch GRU)

    # single-layer GRU (torch semantics)
    h0 = jnp.zeros((x.shape[1], HID), dtype=x.dtype)

    def step(h, xt):
        gi = xt @ gru_w_ih.T + gru_b_ih
        gh = h @ gru_w_hh.T + gru_b_hh
        i_r, i_z, i_n = jnp.split(gi, 3, axis=-1)
        h_r, h_z, h_n = jnp.split(gh, 3, axis=-1)
        r = jax.nn.sigmoid(i_r + h_r)
        z = jax.nn.sigmoid(i_z + h_z)
        n = jnp.tanh(i_n + r * h_n)
        hn = (1.0 - z) * n + z * h
        return hn, hn

    _, enc = jax.lax.scan(step, h0, x)
    q_enc = enc[-1]  # [B, HID]

    # F.normalize(image, -1): second positional arg is p=-1, dim defaults to 1
    norm = jnp.sum(jnp.abs(image) ** (-1.0), axis=1, keepdims=True) ** (-1.0)
    norm = jnp.maximum(norm, 1e-12)
    img = image / norm

    q_rep = jnp.tile(q_enc, (1, K)).reshape(-1, K, EMB)  # [B, K, EMB]
    c1 = jnp.concatenate([img, q_rep], axis=-1)  # [B, K, FEAT+HID]
    c1 = jax.nn.relu(c1 @ W1 + b1)  # [B, K, HID]
    att = c1 @ W2 + b2  # [B, K, 1]
    att = jax.nn.softmax(att, axis=1)
    ctx = jnp.sum(att * img, axis=1)  # [B, FEAT]
    c2 = jnp.concatenate([ctx, q_enc], axis=-1)  # [B, FEAT+HID]
    c2 = jax.nn.relu(c2 @ W3 + b3)
    c2 = jax.nn.relu(c2 @ W4 + b4)
    out = c2 @ W5 + b5  # [B, OUT]
    return out

if __name__ == "__main__":
    import jax
    _d = setup_inputs()
    print(jax.jit(kernel)(*tuple(_d.values())))

</pallas_src>

<mosaic_0001>
#map = affine_map<(d0, d1) -> (0)>
#map1 = affine_map<(d0, d1) -> (0, 0)>
module attributes {stable_mosaic.version = 14 : i64} {
  func.func @gather_k(%arg0: i32, %arg1: i32, %arg2: memref<10240xi32, #tpu.memory_space<hbm>>, %arg3: memref<20000x1024xf32, #tpu.memory_space<hbm>>, %arg4: memref<10240x1024xf32, #tpu.memory_space<hbm>>, %arg5: memref<64xi32, #tpu.memory_space<vmem>>, %arg6: memref<64x1024xf32, #tpu.memory_space<vmem>>, %arg7: memref<!tpu.dma_semaphore, #tpu.memory_space<semaphore_mem>>) attributes {dimension_semantics = [#tpu.dimension_semantics<core_parallel>, #tpu.dimension_semantics<subcore_parallel>], iteration_bounds = array<i64: 2, 16>, scalar_prefetch = 0 : i64, scratch_operands = 3 : i64, tpu.core_type = #tpu.core_type<sc_vector_subcore>, window_params = [{transform_indices = #map}, {transform_indices = #map1}, {transform_indices = #map1}]} {
    %mul3A = arith.constant 2 : i32
    %mul3A_0 = arith.muli %arg1, %mul3A : i32
    %add3A = arith.addi %mul3A_0, %arg0 : i32
    %mul3A_1 = arith.constant 320 : i32
    %mul3A_2 = arith.muli %add3A, %mul3A_1 : i32
    %add3A_3 = arith.constant 0 : i32
    %add3A_4 = arith.addi %mul3A_2, %add3A_3 : i32
    "tpu.region"() ({
      %run_scoped3A = tpu.sem_alloc : memref<!tpu.dma_semaphore, #tpu.memory_space<semaphore_mem>>
      %dma_start3A_41 = tpu.memref_slice %arg2[%add3A_4] : memref<10240xi32, #tpu.memory_space<hbm>> -> memref<64xi32, #tpu.memory_space<hbm>>
      %dma_start3A_42 = tpu.memref_slice %arg2[%add3A_4] : memref<10240xi32, #tpu.memory_space<hbm>> -> memref<64xi32, #tpu.memory_space<hbm>>
      tpu.enqueue_dma source(%dma_start3A_42 : memref<64xi32, #tpu.memory_space<hbm>>) target(%arg5 : memref<64xi32, #tpu.memory_space<vmem>>) target_semaphore(%run_scoped3A : memref<!tpu.dma_semaphore, #tpu.memory_space<semaphore_mem>>)
      %dma_wait3A_43 = tpu.memref_slice %arg2[%add3A_4] : memref<10240xi32, #tpu.memory_space<hbm>> -> memref<64xi32, #tpu.memory_space<hbm>>
      %dma_wait3A_44 = tpu.memref_slice %arg2[%add3A_4] : memref<10240xi32, #tpu.memory_space<hbm>> -> memref<64xi32, #tpu.memory_space<hbm>>
      tpu.wait_dma2 semaphore(%run_scoped3A : memref<!tpu.dma_semaphore, #tpu.memory_space<semaphore_mem>>) src(%dma_wait3A_44 : memref<64xi32, #tpu.memory_space<hbm>>) dst(%arg5 : memref<64xi32, #tpu.memory_space<vmem>>)
      tpu.yield
    }) : () -> ()
    %dma_start3A = arith.constant 0 : i32
    %dma_start3A_5 = arith.constant 0 : i32
    %dma_start3A_6 = tpu.memref_slice %arg3[%dma_start3A, %dma_start3A_5] : memref<20000x1024xf32, #tpu.memory_space<hbm>> -> memref<20000x1024xf32, #tpu.memory_space<hbm>>
    tpu.enqueue_indirect_dma source(%dma_start3A_6 : memref<20000x1024xf32, #tpu.memory_space<hbm>>) target(%arg6 : memref<64x1024xf32, #tpu.memory_space<vmem>>) offsets(%arg5 : memref<64xi32, #tpu.memory_space<vmem>>) semaphore(%arg7 : memref<!tpu.dma_semaphore, #tpu.memory_space<semaphore_mem>>)
    %dma_wait3A = arith.constant 0 : i32
    %dma_wait3A_7 = arith.constant 0 : i32
    %dma_wait3A_8 = tpu.memref_slice %arg3[%dma_wait3A, %dma_wait3A_7] : memref<20000x1024xf32, #tpu.memory_space<hbm>> -> memref<20000x1024xf32, #tpu.memory_space<hbm>>
    tpu.wait_indirect_dma semaphore(%arg7 : memref<!tpu.dma_semaphore, #tpu.memory_space<semaphore_mem>>) src(%dma_wait3A_8 : memref<20000x1024xf32, #tpu.memory_space<hbm>>) dst(%arg6 : memref<64x1024xf32, #tpu.memory_space<vmem>>)
    "tpu.region"() ({
      %run_scoped3A = tpu.sem_alloc : memref<!tpu.dma_semaphore, #tpu.memory_space<semaphore_mem>>
      %dma_start3A_41 = arith.constant 0 : i32
      %dma_start3A_42 = tpu.memref_slice %arg4[%add3A_4, %dma_start3A_41] : memref<10240x1024xf32, #tpu.memory_space<hbm>> -> memref<64x1024xf32, #tpu.memory_space<hbm>>
      %dma_start3A_43 = arith.constant 0 : i32
      %dma_start3A_44 = tpu.memref_slice %arg4[%add3A_4, %dma_start3A_43] : memref<10240x1024xf32, #tpu.memory_space<hbm>> -> memref<64x1024xf32, #tpu.memory_space<hbm>>
      tpu.enqueue_dma source(%arg6 : memref<64x1024xf32, #tpu.memory_space<vmem>>) target(%dma_start3A_44 : memref<64x1024xf32, #tpu.memory_space<hbm>>) target_semaphore(%run_scoped3A : memref<!tpu.dma_semaphore, #tpu.memory_space<semaphore_mem>>)
      %dma_wait3A_45 = arith.constant 0 : i32
      %dma_wait3A_46 = tpu.memref_slice %arg4[%add3A_4, %dma_wait3A_45] : memref<10240x1024xf32, #tpu.memory_space<hbm>> -> memref<64x1024xf32, #tpu.memory_space<hbm>>
      %dma_wait3A_47 = arith.constant 0 : i32
      %dma_wait3A_48 = tpu.memref_slice %arg4[%add3A_4, %dma_wait3A_47] : memref<10240x1024xf32, #tpu.memory_space<hbm>> -> memref<64x1024xf32, #tpu.memory_space<hbm>>
      tpu.wait_dma2 semaphore(%run_scoped3A : memref<!tpu.dma_semaphore, #tpu.memory_space<semaphore_mem>>) src(%arg6 : memref<64x1024xf32, #tpu.memory_space<vmem>>) dst(%dma_wait3A_48 : memref<64x1024xf32, #tpu.memory_space<hbm>>)
      tpu.yield
    }) : () -> ()
    %add3A_9 = arith.constant 64 : i32
    %add3A_10 = arith.addi %mul3A_2, %add3A_9 : i32
    "tpu.region"() ({
      %run_scoped3A = tpu.sem_alloc : memref<!tpu.dma_semaphore, #tpu.memory_space<semaphore_mem>>
      %dma_start3A_41 = tpu.memref_slice %arg2[%add3A_10] : memref<10240xi32, #tpu.memory_space<hbm>> -> memref<64xi32, #tpu.memory_space<hbm>>
      %dma_start3A_42 = tpu.memref_slice %arg2[%add3A_10] : memref<10240xi32, #tpu.memory_space<hbm>> -> memref<64xi32, #tpu.memory_space<hbm>>
      tpu.enqueue_dma source(%dma_start3A_42 : memref<64xi32, #tpu.memory_space<hbm>>) target(%arg5 : memref<64xi32, #tpu.memory_space<vmem>>) target_semaphore(%run_scoped3A : memref<!tpu.dma_semaphore, #tpu.memory_space<semaphore_mem>>)
      %dma_wait3A_43 = tpu.memref_slice %arg2[%add3A_10] : memref<10240xi32, #tpu.memory_space<hbm>> -> memref<64xi32, #tpu.memory_space<hbm>>
      %dma_wait3A_44 = tpu.memref_slice %arg2[%add3A_10] : memref<10240xi32, #tpu.memory_space<hbm>> -> memref<64xi32, #tpu.memory_space<hbm>>
      tpu.wait_dma2 semaphore(%run_scoped3A : memref<!tpu.dma_semaphore, #tpu.memory_space<semaphore_mem>>) src(%dma_wait3A_44 : memref<64xi32, #tpu.memory_space<hbm>>) dst(%arg5 : memref<64xi32, #tpu.memory_space<vmem>>)
      tpu.yield
    }) : () -> ()
    %dma_start3A_11 = arith.constant 0 : i32
    %dma_start3A_12 = arith.constant 0 : i32
    %dma_start3A_13 = tpu.memref_slice %arg3[%dma_start3A_11, %dma_start3A_12] : memref<20000x1024xf32, #tpu.memory_space<hbm>> -> memref<20000x1024xf32, #tpu.memory_space<hbm>>
    tpu.enqueue_indirect_dma source(%dma_start3A_13 : memref<20000x1024xf32, #tpu.memory_space<hbm>>) target(%arg6 : memref<64x1024xf32, #tpu.memory_space<vmem>>) offsets(%arg5 : memref<64xi32, #tpu.memory_space<vmem>>) semaphore(%arg7 : memref<!tpu.dma_semaphore, #tpu.memory_space<semaphore_mem>>)
    %dma_wait3A_14 = arith.constant 0 : i32
    %dma_wait3A_15 = arith.constant 0 : i32
    %dma_wait3A_16 = tpu.memref_slice %arg3[%dma_wait3A_14, %dma_wait3A_15] : memref<20000x1024xf32, #tpu.memory_space<hbm>> -> memref<20000x1024xf32, #tpu.memory_space<hbm>>
    tpu.wait_indirect_dma semaphore(%arg7 : memref<!tpu.dma_semaphore, #tpu.memory_space<semaphore_mem>>) src(%dma_wait3A_16 : memref<20000x1024xf32, #tpu.memory_space<hbm>>) dst(%arg6 : memref<64x1024xf32, #tpu.memory_space<vmem>>)
    "tpu.region"() ({
      %run_scoped3A = tpu.sem_alloc : memref<!tpu.dma_semaphore, #tpu.memory_space<semaphore_mem>>
      %dma_start3A_41 = arith.constant 0 : i32
      %dma_start3A_42 = tpu.memref_slice %arg4[%add3A_10, %dma_start3A_41] : memref<10240x1024xf32, #tpu.memory_space<hbm>> -> memref<64x1024xf32, #tpu.memory_space<hbm>>
      %dma_start3A_43 = arith.constant 0 : i32
      %dma_start3A_44 = tpu.memref_slice %arg4[%add3A_10, %dma_start3A_43] : memref<10240x1024xf32, #tpu.memory_space<hbm>> -> memref<64x1024xf32, #tpu.memory_space<hbm>>
      tpu.enqueue_dma source(%arg6 : memref<64x1024xf32, #tpu.memory_space<vmem>>) target(%dma_start3A_44 : memref<64x1024xf32, #tpu.memory_space<hbm>>) target_semaphore(%run_scoped3A : memref<!tpu.dma_semaphore, #tpu.memory_space<semaphore_mem>>)
      %dma_wait3A_45 = arith.constant 0 : i32
      %dma_wait3A_46 = tpu.memref_slice %arg4[%add3A_10, %dma_wait3A_45] : memref<10240x1024xf32, #tpu.memory_space<hbm>> -> memref<64x1024xf32, #tpu.memory_space<hbm>>
      %dma_wait3A_47 = arith.constant 0 : i32
      %dma_wait3A_48 = tpu.memref_slice %arg4[%add3A_10, %dma_wait3A_47] : memref<10240x1024xf32, #tpu.memory_space<hbm>> -> memref<64x1024xf32, #tpu.memory_space<hbm>>
      tpu.wait_dma2 semaphore(%run_scoped3A : memref<!tpu.dma_semaphore, #tpu.memory_space<semaphore_mem>>) src(%arg6 : memref<64x1024xf32, #tpu.memory_space<vmem>>) dst(%dma_wait3A_48 : memref<64x1024xf32, #tpu.memory_space<hbm>>)
      tpu.yield
    }) : () -> ()
    %add3A_17 = arith.constant 128 : i32
    %add3A_18 = arith.addi %mul3A_2, %add3A_17 : i32
    "tpu.region"() ({
      %run_scoped3A = tpu.sem_alloc : memref<!tpu.dma_semaphore, #tpu.memory_space<semaphore_mem>>
      %dma_start3A_41 = tpu.memref_slice %arg2[%add3A_18] : memref<10240xi32, #tpu.memory_space<hbm>> -> memref<64xi32, #tpu.memory_space<hbm>>
      %dma_start3A_42 = tpu.memref_slice %arg2[%add3A_18] : memref<10240xi32, #tpu.memory_space<hbm>> -> memref<64xi32, #tpu.memory_space<hbm>>
      tpu.enqueue_dma source(%dma_start3A_42 : memref<64xi32, #tpu.memory_space<hbm>>) target(%arg5 : memref<64xi32, #tpu.memory_space<vmem>>) target_semaphore(%run_scoped3A : memref<!tpu.dma_semaphore, #tpu.memory_space<semaphore_mem>>)
      %dma_wait3A_43 = tpu.memref_slice %arg2[%add3A_18] : memref<10240xi32, #tpu.memory_space<hbm>> -> memref<64xi32, #tpu.memory_space<hbm>>
      %dma_wait3A_44 = tpu.memref_slice %arg2[%add3A_18] : memref<10240xi32, #tpu.memory_space<hbm>> -> memref<64xi32, #tpu.memory_space<hbm>>
      tpu.wait_dma2 semaphore(%run_scoped3A : memref<!tpu.dma_semaphore, #tpu.memory_space<semaphore_mem>>) src(%dma_wait3A_44 : memref<64xi32, #tpu.memory_space<hbm>>) dst(%arg5 : memref<64xi32, #tpu.memory_space<vmem>>)
      tpu.yield
    }) : () -> ()
    %dma_start3A_19 = arith.constant 0 : i32
    %dma_start3A_20 = arith.constant 0 : i32
    %dma_start3A_21 = tpu.memref_slice %arg3[%dma_start3A_19, %dma_start3A_20] : memref<20000x1024xf32, #tpu.memory_space<hbm>> -> memref<20000x1024xf32, #tpu.memory_space<hbm>>
    tpu.enqueue_indirect_dma source(%dma_start3A_21 : memref<20000x1024xf32, #tpu.memory_space<hbm>>) target(%arg6 : memref<64x1024xf32, #tpu.memory_space<vmem>>) offsets(%arg5 : memref<64xi32, #tpu.memory_space<vmem>>) semaphore(%arg7 : memref<!tpu.dma_semaphore, #tpu.memory_space<semaphore_mem>>)
    %dma_wait3A_22 = arith.constant 0 : i32
    %dma_wait3A_23 = arith.constant 0 : i32
    %dma_wait3A_24 = tpu.memref_slice %arg3[%dma_wait3A_22, %dma_wait3A_23] : memref<20000x1024xf32, #tpu.memory_space<hbm>> -> memref<20000x1024xf32, #tpu.memory_space<hbm>>
    tpu.wait_indirect_dma semaphore(%arg7 : memref<!tpu.dma_semaphore, #tpu.memory_space<semaphore_mem>>) src(%dma_wait3A_24 : memref<20000x1024xf32, #tpu.memory_space<hbm>>) dst(%arg6 : memref<64x1024xf32, #tpu.memory_space<vmem>>)
    "tpu.region"() ({
      %run_scoped3A = tpu.sem_alloc : memref<!tpu.dma_semaphore, #tpu.memory_space<semaphore_mem>>
      %dma_start3A_41 = arith.constant 0 : i32
      %dma_start3A_42 = tpu.memref_slice %arg4[%add3A_18, %dma_start3A_41] : memref<10240x1024xf32, #tpu.memory_space<hbm>> -> memref<64x1024xf32, #tpu.memory_space<hbm>>
      %dma_start3A_43 = arith.constant 0 : i32
      %dma_start3A_44 = tpu.memref_slice %arg4[%add3A_18, %dma_start3A_43] : memref<10240x1024xf32, #tpu.memory_space<hbm>> -> memref<64x1024xf32, #tpu.memory_space<hbm>>
      tpu.enqueue_dma source(%arg6 : memref<64x1024xf32, #tpu.memory_space<vmem>>) target(%dma_start3A_44 : memref<64x1024xf32, #tpu.memory_space<hbm>>) target_semaphore(%run_scoped3A : memref<!tpu.dma_semaphore, #tpu.memory_space<semaphore_mem>>)
      %dma_wait3A_45 = arith.constant 0 : i32
      %dma_wait3A_46 = tpu.memref_slice %arg4[%add3A_18, %dma_wait3A_45] : memref<10240x1024xf32, #tpu.memory_space<hbm>> -> memref<64x1024xf32, #tpu.memory_space<hbm>>
      %dma_wait3A_47 = arith.constant 0 : i32
      %dma_wait3A_48 = tpu.memref_slice %arg4[%add3A_18, %dma_wait3A_47] : memref<10240x1024xf32, #tpu.memory_space<hbm>> -> memref<64x1024xf32, #tpu.memory_space<hbm>>
      tpu.wait_dma2 semaphore(%run_scoped3A : memref<!tpu.dma_semaphore, #tpu.memory_space<semaphore_mem>>) src(%arg6 : memref<64x1024xf32, #tpu.memory_space<vmem>>) dst(%dma_wait3A_48 : memref<64x1024xf32, #tpu.memory_space<hbm>>)
      tpu.yield
    }) : () -> ()
    %add3A_25 = arith.constant 192 : i32
    %add3A_26 = arith.addi %mul3A_2, %add3A_25 : i32
    "tpu.region"() ({
      %run_scoped3A = tpu.sem_alloc : memref<!tpu.dma_semaphore, #tpu.memory_space<semaphore_mem>>
      %dma_start3A_41 = tpu.memref_slice %arg2[%add3A_26] : memref<10240xi32, #tpu.memory_space<hbm>> -> memref<64xi32, #tpu.memory_space<hbm>>
      %dma_start3A_42 = tpu.memref_slice %arg2[%add3A_26] : memref<10240xi32, #tpu.memory_space<hbm>> -> memref<64xi32, #tpu.memory_space<hbm>>
      tpu.enqueue_dma source(%dma_start3A_42 : memref<64xi32, #tpu.memory_space<hbm>>) target(%arg5 : memref<64xi32, #tpu.memory_space<vmem>>) target_semaphore(%run_scoped3A : memref<!tpu.dma_semaphore, #tpu.memory_space<semaphore_mem>>)
      %dma_wait3A_43 = tpu.memref_slice %arg2[%add3A_26] : memref<10240xi32, #tpu.memory_space<hbm>> -> memref<64xi32, #tpu.memory_space<hbm>>
      %dma_wait3A_44 = tpu.memref_slice %arg2[%add3A_26] : memref<10240xi32, #tpu.memory_space<hbm>> -> memref<64xi32, #tpu.memory_space<hbm>>
      tpu.wait_dma2 semaphore(%run_scoped3A : memref<!tpu.dma_semaphore, #tpu.memory_space<semaphore_mem>>) src(%dma_wait3A_44 : memref<64xi32, #tpu.memory_space<hbm>>) dst(%arg5 : memref<64xi32, #tpu.memory_space<vmem>>)
      tpu.yield
    }) : () -> ()
    %dma_start3A_27 = arith.constant 0 : i32
    %dma_start3A_28 = arith.constant 0 : i32
    %dma_start3A_29 = tpu.memref_slice %arg3[%dma_start3A_27, %dma_start3A_28] : memref<20000x1024xf32, #tpu.memory_space<hbm>> -> memref<20000x1024xf32, #tpu.memory_space<hbm>>
    tpu.enqueue_indirect_dma source(%dma_start3A_29 : memref<20000x1024xf32, #tpu.memory_space<hbm>>) target(%arg6 : memref<64x1024xf32, #tpu.memory_space<vmem>>) offsets(%arg5 : memref<64xi32, #tpu.memory_space<vmem>>) semaphore(%arg7 : memref<!tpu.dma_semaphore, #tpu.memory_space<semaphore_mem>>)
    %dma_wait3A_30 = arith.constant 0 : i32
    %dma_wait3A_31 = arith.constant 0 : i32
    %dma_wait3A_32 = tpu.memref_slice %arg3[%dma_wait3A_30, %dma_wait3A_31] : memref<20000x1024xf32, #tpu.memory_space<hbm>> -> memref<20000x1024xf32, #tpu.memory_space<hbm>>
    tpu.wait_indirect_dma semaphore(%arg7 : memref<!tpu.dma_semaphore, #tpu.memory_space<semaphore_mem>>) src(%dma_wait3A_32 : memref<20000x1024xf32, #tpu.memory_space<hbm>>) dst(%arg6 : memref<64x1024xf32, #tpu.memory_space<vmem>>)
    "tpu.region"() ({
      %run_scoped3A = tpu.sem_alloc : memref<!tpu.dma_semaphore, #tpu.memory_space<semaphore_mem>>
      %dma_start3A_41 = arith.constant 0 : i32
      %dma_start3A_42 = tpu.memref_slice %arg4[%add3A_26, %dma_start3A_41] : memref<10240x1024xf32, #tpu.memory_space<hbm>> -> memref<64x1024xf32, #tpu.memory_space<hbm>>
      %dma_start3A_43 = arith.constant 0 : i32
      %dma_start3A_44 = tpu.memref_slice %arg4[%add3A_26, %dma_start3A_43] : memref<10240x1024xf32, #tpu.memory_space<hbm>> -> memref<64x1024xf32, #tpu.memory_space<hbm>>
      tpu.enqueue_dma source(%arg6 : memref<64x1024xf32, #tpu.memory_space<vmem>>) target(%dma_start3A_44 : memref<64x1024xf32, #tpu.memory_space<hbm>>) target_semaphore(%run_scoped3A : memref<!tpu.dma_semaphore, #tpu.memory_space<semaphore_mem>>)
      %dma_wait3A_45 = arith.constant 0 : i32
      %dma_wait3A_46 = tpu.memref_slice %arg4[%add3A_26, %dma_wait3A_45] : memref<10240x1024xf32, #tpu.memory_space<hbm>> -> memref<64x1024xf32, #tpu.memory_space<hbm>>
      %dma_wait3A_47 = arith.constant 0 : i32
      %dma_wait3A_48 = tpu.memref_slice %arg4[%add3A_26, %dma_wait3A_47] : memref<10240x1024xf32, #tpu.memory_space<hbm>> -> memref<64x1024xf32, #tpu.memory_space<hbm>>
      tpu.wait_dma2 semaphore(%run_scoped3A : memref<!tpu.dma_semaphore, #tpu.memory_space<semaphore_mem>>) src(%arg6 : memref<64x1024xf32, #tpu.memory_space<vmem>>) dst(%dma_wait3A_48 : memref<64x1024xf32, #tpu.memory_space<hbm>>)
      tpu.yield
    }) : () -> ()
    %add3A_33 = arith.constant 256 : i32
    %add3A_34 = arith.addi %mul3A_2, %add3A_33 : i32
    "tpu.region"() ({
      %run_scoped3A = tpu.sem_alloc : memref<!tpu.dma_semaphore, #tpu.memory_space<semaphore_mem>>
      %dma_start3A_41 = tpu.memref_slice %arg2[%add3A_34] : memref<10240xi32, #tpu.memory_space<hbm>> -> memref<64xi32, #tpu.memory_space<hbm>>
      %dma_start3A_42 = tpu.memref_slice %arg2[%add3A_34] : memref<10240xi32, #tpu.memory_space<hbm>> -> memref<64xi32, #tpu.memory_space<hbm>>
      tpu.enqueue_dma source(%dma_start3A_42 : memref<64xi32, #tpu.memory_space<hbm>>) target(%arg5 : memref<64xi32, #tpu.memory_space<vmem>>) target_semaphore(%run_scoped3A : memref<!tpu.dma_semaphore, #tpu.memory_space<semaphore_mem>>)
      %dma_wait3A_43 = tpu.memref_slice %arg2[%add3A_34] : memref<10240xi32, #tpu.memory_space<hbm>> -> memref<64xi32, #tpu.memory_space<hbm>>
      %dma_wait3A_44 = tpu.memref_slice %arg2[%add3A_34] : memref<10240xi32, #tpu.memory_space<hbm>> -> memref<64xi32, #tpu.memory_space<hbm>>
      tpu.wait_dma2 semaphore(%run_scoped3A : memref<!tpu.dma_semaphore, #tpu.memory_space<semaphore_mem>>) src(%dma_wait3A_44 : memref<64xi32, #tpu.memory_space<hbm>>) dst(%arg5 : memref<64xi32, #tpu.memory_space<vmem>>)
      tpu.yield
    }) : () -> ()
    %dma_start3A_35 = arith.constant 0 : i32
    %dma_start3A_36 = arith.constant 0 : i32
    %dma_start3A_37 = tpu.memref_slice %arg3[%dma_start3A_35, %dma_start3A_36] : memref<20000x1024xf32, #tpu.memory_space<hbm>> -> memref<20000x1024xf32, #tpu.memory_space<hbm>>
    tpu.enqueue_indirect_dma source(%dma_start3A_37 : memref<20000x1024xf32, #tpu.memory_space<hbm>>) target(%arg6 : memref<64x1024xf32, #tpu.memory_space<vmem>>) offsets(%arg5 : memref<64xi32, #tpu.memory_space<vmem>>) semaphore(%arg7 : memref<!tpu.dma_semaphore, #tpu.memory_space<semaphore_mem>>)
    %dma_wait3A_38 = arith.constant 0 : i32
    %dma_wait3A_39 = arith.constant 0 : i32
    %dma_wait3A_40 = tpu.memref_slice %arg3[%dma_wait3A_38, %dma_wait3A_39] : memref<20000x1024xf32, #tpu.memory_space<hbm>> -> memref<20000x1024xf32, #tpu.memory_space<hbm>>
    tpu.wait_indirect_dma semaphore(%arg7 : memref<!tpu.dma_semaphore, #tpu.memory_space<semaphore_mem>>) src(%dma_wait3A_40 : memref<20000x1024xf32, #tpu.memory_space<hbm>>) dst(%arg6 : memref<64x1024xf32, #tpu.memory_space<vmem>>)
    "tpu.region"() ({
      %run_scoped3A = tpu.sem_alloc : memref<!tpu.dma_semaphore, #tpu.memory_space<semaphore_mem>>
      %dma_start3A_41 = arith.constant 0 : i32
      %dma_start3A_42 = tpu.memref_slice %arg4[%add3A_34, %dma_start3A_41] : memref<10240x1024xf32, #tpu.memory_space<hbm>> -> memref<64x1024xf32, #tpu.memory_space<hbm>>
      %dma_start3A_43 = arith.constant 0 : i32
      %dma_start3A_44 = tpu.memref_slice %arg4[%add3A_34, %dma_start3A_43] : memref<10240x1024xf32, #tpu.memory_space<hbm>> -> memref<64x1024xf32, #tpu.memory_space<hbm>>
      tpu.enqueue_dma source(%arg6 : memref<64x1024xf32, #tpu.memory_space<vmem>>) target(%dma_start3A_44 : memref<64x1024xf32, #tpu.memory_space<hbm>>) target_semaphore(%run_scoped3A : memref<!tpu.dma_semaphore, #tpu.memory_space<semaphore_mem>>)
      %dma_wait3A_45 = arith.constant 0 : i32
      %dma_wait3A_46 = tpu.memref_slice %arg4[%add3A_34, %dma_wait3A_45] : memref<10240x1024xf32, #tpu.memory_space<hbm>> -> memref<64x1024xf32, #tpu.memory_space<hbm>>
      %dma_wait3A_47 = arith.constant 0 : i32
      %dma_wait3A_48 = tpu.memref_slice %arg4[%add3A_34, %dma_wait3A_47] : memref<10240x1024xf32, #tpu.memory_space<hbm>> -> memref<64x1024xf32, #tpu.memory_space<hbm>>
      tpu.wait_dma2 semaphore(%run_scoped3A : memref<!tpu.dma_semaphore, #tpu.memory_space<semaphore_mem>>) src(%arg6 : memref<64x1024xf32, #tpu.memory_space<vmem>>) dst(%dma_wait3A_48 : memref<64x1024xf32, #tpu.memory_space<hbm>>)
      tpu.yield
    }) : () -> ()
    return
  }
}

module attributes {stable_mosaic.version = 14 : i64} {
  func.func @_gru_body(%arg0: i32, %arg1: memref<1x512x1024xf32, #tpu.memory_space<vmem>>, %arg2: memref<1x512x1024xf32, #tpu.memory_space<vmem>>, %arg3: memref<1024x3072xbf16, #tpu.memory_space<vmem>>, %arg4: memref<1024x3072xbf16, #tpu.memory_space<vmem>>, %arg5: memref<1x3072xf32, #tpu.memory_space<vmem>>, %arg6: memref<1x3072xf32, #tpu.memory_space<vmem>>, %arg7: memref<512x1024xf32, #tpu.memory_space<vmem>>, %arg8: memref<512x1024xf32, #tpu.memory_space<vmem>>, %arg9: memref<512x3072xf32, #tpu.memory_space<vmem>>) attributes {dimension_semantics = [#tpu.dimension_semantics<arbitrary>], iteration_bounds = array<i64: 20>, scalar_prefetch = 0 : i64, scratch_operands = 2 : i64, tpu.core_type = #tpu.core_type<tc>, window_params = [{transform_indices = @transform_0, window_bounds = array<i64: 1, 512, 1024>}, {transform_indices = @transform_1, window_bounds = array<i64: 1, 512, 1024>}, {pipeline_mode = #tpu.pipeline_mode<synchronous>, transform_indices = @transform_2, window_bounds = array<i64: 1024, 3072>}, {pipeline_mode = #tpu.pipeline_mode<synchronous>, transform_indices = @transform_3, window_bounds = array<i64: 1024, 3072>}, {pipeline_mode = #tpu.pipeline_mode<synchronous>, transform_indices = @transform_4, window_bounds = array<i64: 1, 3072>}, {pipeline_mode = #tpu.pipeline_mode<synchronous>, transform_indices = @transform_5, window_bounds = array<i64: 1, 3072>}, {pipeline_mode = #tpu.pipeline_mode<synchronous>, transform_indices = @transform_6, window_bounds = array<i64: 512, 1024>}]} {
    %eq3A = arith.constant 0 : i32
    %eq3A_0 = arith.cmpi eq, %arg0, %eq3A : i32
    %convert_element_type3A = arith.extui %eq3A_0 : i1 to i32
    %cond3A = arith.constant 0 : i32
    %cond3A_1 = arith.cmpi ne, %convert_element_type3A, %cond3A : i32
    scf.if %cond3A_1 {
      %broadcast_in_dim3A_64 = arith.constant 0.000000e+00 : f32
      %broadcast_in_dim3A_65 = vector.broadcast %broadcast_in_dim3A_64 : f32 to vector<512x1024xf32>
      %swap3A_66 = arith.constant 0 : index
      %swap3A_67 = arith.constant 0 : index
      %swap3A_68 = vector.load %arg8[%swap3A_66, %swap3A_67] : memref<512x1024xf32, #tpu.memory_space<vmem>>, vector<512x1024xf32>
      tpu.vector_store %arg8[%swap3A_66, %swap3A_67], %broadcast_in_dim3A_65 {strides = array<i32>} : memref<512x1024xf32, #tpu.memory_space<vmem>>, vector<512x1024xf32>,
      %get3A_69 = arith.constant 0 : index
      %get3A_70 = arith.constant 0 : index
      %get3A_71 = arith.constant 0 : index
      %get3A_72 = vector.load %arg1[%get3A_69, %get3A_70, %get3A_71] : memref<1x512x1024xf32, #tpu.memory_space<vmem>>, vector<1x512x1024xf32>
      %get3A_73 = vector.shape_cast %get3A_72 : vector<1x512x1024xf32> to vector<512x1024xf32>
      %convert_element_type3A_74 = arith.truncf %get3A_73 : vector<512x1024xf32> to vector<512x1024xbf16>
      %get3A_75 = arith.constant 0 : index
      %get3A_76 = arith.constant 0 : index
      %get3A_77 = vector.load %arg3[%get3A_75, %get3A_76] : memref<1024x3072xbf16, #tpu.memory_space<vmem>>, vector<1024x3072xbf16>
      %dot_general3A_78 = arith.constant dense<0.000000e+00> : vector<512x3072xf32>
      %dot_general3A_79 = tpu.matmul %convert_element_type3A_74, %get3A_77, %dot_general3A_78 {dimension_numbers = #tpu.dot_dimension_numbers<[1], [0], [0], [1], [0, 0, 1, 1], [], []>, transpose_lhs_hint = false} : vector<512x1024xbf16>, vector<1024x3072xbf16>, vector<512x3072xf32> -> vector<512x3072xf32>
      %swap3A_80 = arith.constant 0 : index
      %swap3A_81 = arith.constant 0 : index
      %swap3A_82 = vector.load %arg9[%swap3A_80, %swap3A_81] : memref<512x3072xf32, #tpu.memory_space<vmem>>, vector<512x3072xf32>
      tpu.vector_store %arg9[%swap3A_80, %swap3A_81], %dot_general3A_79 {strides = array<i32>} : memref<512x3072xf32, #tpu.memory_space<vmem>>, vector<512x3072xf32>,
    } else {
    }
    %get3A = arith.constant 0 : index
    %get3A_2 = arith.constant 0 : index
    %get3A_3 = vector.load %arg9[%get3A, %get3A_2] : memref<512x3072xf32, #tpu.memory_space<vmem>>, vector<512x3072xf32>
    %get3A_4 = arith.constant 0 : index
    %get3A_5 = arith.constant 0 : index
    %get3A_6 = vector.load %arg5[%get3A_4, %get3A_5] : memref<1x3072xf32, #tpu.memory_space<vmem>>, vector<1x3072xf32>
    %get3A_7 = vector.shape_cast %get3A_6 : vector<1x3072xf32> to vector<3072xf32>
    %broadcast_in_dim3A = vector.shape_cast %get3A_7 : vector<3072xf32> to vector<1x3072xf32>
    %add3A = vector.broadcast %broadcast_in_dim3A : vector<1x3072xf32> to vector<512x3072xf32>
    %add3A_8 = arith.addf %get3A_3, %add3A : vector<512x3072xf32>
    %get3A_9 = arith.constant 0 : index
    %get3A_10 = arith.constant 0 : index
    %get3A_11 = vector.load %arg8[%get3A_9, %get3A_10] : memref<512x1024xf32, #tpu.memory_space<vmem>>, vector<512x1024xf32>
    %convert_element_type3A_12 = arith.truncf %get3A_11 : vector<512x1024xf32> to vector<512x1024xbf16>
    %get3A_13 = arith.constant 0 : index
    %get3A_14 = arith.constant 0 : index
    %get3A_15 = vector.load %arg4[%get3A_13, %get3A_14] : memref<1024x3072xbf16, #tpu.memory_space<vmem>>, vector<1024x3072xbf16>
    %dot_general3A = arith.constant dense<0.000000e+00> : vector<512x3072xf32>
    %dot_general3A_16 = tpu.matmul %convert_element_type3A_12, %get3A_15, %dot_general3A {dimension_numbers = #tpu.dot_dimension_numbers<[1], [0], [0], [1], [0, 0, 1, 1], [], []>, transpose_lhs_hint = false} : vector<512x1024xbf16>, vector<1024x3072xbf16>, vector<512x3072xf32> -> vector<512x3072xf32>
    %get3A_17 = arith.constant 0 : index
    %get3A_18 = arith.constant 0 : index
    %get3A_19 = vector.load %arg6[%get3A_17, %get3A_18] : memref<1x3072xf32, #tpu.memory_space<vmem>>, vector<1x3072xf32>
    %get3A_20 = vector.shape_cast %get3A_19 : vector<1x3072xf32> to vector<3072xf32>
    %broadcast_in_dim3A_21 = vector.shape_cast %get3A_20 : vector<3072xf32> to vector<1x3072xf32>
    %add3A_22 = vector.broadcast %broadcast_in_dim3A_21 : vector<1x3072xf32> to vector<512x3072xf32>
    %add3A_23 = arith.addf %dot_general3A_16, %add3A_22 : vector<512x3072xf32>
    %get3A_24 = arith.constant 0 : index
    %get3A_25 = arith.constant 0 : index
    %get3A_26 = arith.constant 0 : index
    %get3A_27 = vector.load %arg2[%get3A_24, %get3A_25, %get3A_26] : memref<1x512x1024xf32, #tpu.memory_space<vmem>>, vector<1x512x1024xf32>
    %get3A_28 = vector.shape_cast %get3A_27 : vector<1x512x1024xf32> to vector<512x1024xf32>
    %convert_element_type3A_29 = arith.truncf %get3A_28 : vector<512x1024xf32> to vector<512x1024xbf16>
    %get3A_30 = arith.constant 0 : index
    %get3A_31 = arith.constant 0 : index
    %get3A_32 = vector.load %arg3[%get3A_30, %get3A_31] : memref<1024x3072xbf16, #tpu.memory_space<vmem>>, vector<1024x3072xbf16>
    %dot_general3A_33 = arith.constant dense<0.000000e+00> : vector<512x3072xf32>
    %dot_general3A_34 = tpu.matmul %convert_element_type3A_29, %get3A_32, %dot_general3A_33 {dimension_numbers = #tpu.dot_dimension_numbers<[1], [0], [0], [1], [0, 0, 1, 1], [], []>, transpose_lhs_hint = false} : vector<512x1024xbf16>, vector<1024x3072xbf16>, vector<512x3072xf32> -> vector<512x3072xf32>
    %swap3A = arith.constant 0 : index
    %swap3A_35 = arith.constant 0 : index
    %swap3A_36 = vector.load %arg9[%swap3A, %swap3A_35] : memref<512x3072xf32, #tpu.memory_space<vmem>>, vector<512x3072xf32>
    tpu.vector_store %arg9[%swap3A, %swap3A_35], %dot_general3A_34 {strides = array<i32>} : memref<512x3072xf32, #tpu.memory_space<vmem>>, vector<512x3072xf32>,
    %slice3A = vector.extract_strided_slice %add3A_8 {offsets = [0, 0], sizes = [512, 1024], strides = [1, 1]} : vector<512x3072xf32> to vector<512x1024xf32>
    %slice3A_37 = vector.extract_strided_slice %add3A_23 {offsets = [0, 0], sizes = [512, 1024], strides = [1, 1]} : vector<512x3072xf32> to vector<512x1024xf32>
    %add3A_38 = arith.addf %slice3A, %slice3A_37 : vector<512x1024xf32>
    %logistic3A = arith.negf %add3A_38 : vector<512x1024xf32>
    %logistic3A_39 = math.exp %logistic3A : vector<512x1024xf32>
    %logistic3A_40 = arith.constant 1.000000e+00 : f32
    %logistic3A_41 = vector.broadcast %logistic3A_40 : f32 to vector<512x1024xf32>
    %logistic3A_42 = arith.addf %logistic3A_41, %logistic3A_39 : vector<512x1024xf32>
    %logistic3A_43 = arith.divf %logistic3A_41, %logistic3A_42 : vector<512x1024xf32>
    %slice3A_44 = vector.extract_strided_slice %add3A_8 {offsets = [0, 1024], sizes = [512, 1024], strides = [1, 1]} : vector<512x3072xf32> to vector<512x1024xf32>
    %slice3A_45 = vector.extract_strided_slice %add3A_23 {offsets = [0, 1024], sizes = [512, 1024], strides = [1, 1]} : vector<512x3072xf32> to vector<512x1024xf32>
    %add3A_46 = arith.addf %slice3A_44, %slice3A_45 : vector<512x1024xf32>
    %logistic3A_47 = arith.negf %add3A_46 : vector<512x1024xf32>
    %logistic3A_48 = math.exp %logistic3A_47 : vector<512x1024xf32>
    %logistic3A_49 = arith.constant 1.000000e+00 : f32
    %logistic3A_50 = vector.broadcast %logistic3A_49 : f32 to vector<512x1024xf32>
    %logistic3A_51 = arith.addf %logistic3A_50, %logistic3A_48 : vector<512x1024xf32>
    %logistic3A_52 = arith.divf %logistic3A_50, %logistic3A_51 : vector<512x1024xf32>
    %slice3A_53 = vector.extract_strided_slice %add3A_8 {offsets = [0, 2048], sizes = [512, 1024], strides = [1, 1]} : vector<512x3072xf32> to vector<512x1024xf32>
    %slice3A_54 = vector.extract_strided_slice %add3A_23 {offsets = [0, 2048], sizes = [512, 1024], strides = [1, 1]} : vector<512x3072xf32> to vector<512x1024xf32>
    %mul3A = arith.mulf %logistic3A_43, %slice3A_54 : vector<512x1024xf32>
    %add3A_55 = arith.addf %slice3A_53, %mul3A : vector<512x1024xf32>
    %tanh3A = math.tanh %add3A_55 : vector<512x1024xf32>
    %sub3A = arith.subf %get3A_11, %tanh3A : vector<512x1024xf32>
    %mul3A_56 = arith.mulf %logistic3A_52, %sub3A : vector<512x1024xf32>
    %add3A_57 = arith.addf %tanh3A, %mul3A_56 : vector<512x1024xf32>
    %swap3A_58 = arith.constant 0 : index
    %swap3A_59 = arith.constant 0 : index
    %swap3A_60 = vector.load %arg8[%swap3A_58, %swap3A_59] : memref<512x1024xf32, #tpu.memory_space<vmem>>, vector<512x1024xf32>
    tpu.vector_store %arg8[%swap3A_58, %swap3A_59], %add3A_57 {strides = array<i32>} : memref<512x1024xf32, #tpu.memory_space<vmem>>, vector<512x1024xf32>,
    %swap3A_61 = arith.constant 0 : index
    %swap3A_62 = arith.constant 0 : index
    %swap3A_63 = vector.load %arg7[%swap3A_61, %swap3A_62] : memref<512x1024xf32, #tpu.memory_space<vmem>>, vector<512x1024xf32>
    tpu.vector_store %arg7[%swap3A_61, %swap3A_62], %add3A_57 {strides = array<i32>} : memref<512x1024xf32, #tpu.memory_space<vmem>>, vector<512x1024xf32>,
    return
  }
  func.func @transform_0(%arg0: i32) -> (i32, i32, i32) {
    %c0_i32 = arith.constant 0 : i32
    %c0_i32_0 = arith.constant 0 : i32
    %c0_i32_1 = arith.constant 0 : i32
    return %arg0, %c0_i32, %c0_i32_0 : i32, i32, i32
  }
  func.func @transform_1(%arg0: i32) -> (i32, i32, i32) {
    %add3A = arith.constant 1 : i32
    %add3A_0 = arith.addi %arg0, %add3A : i32
    %min3A = arith.constant 19 : i32
    %min3A_1 = arith.minsi %add3A_0, %min3A : i32
    %c0_i32 = arith.constant 0 : i32
    %c0_i32_2 = arith.constant 0 : i32
    %c0_i32_3 = arith.constant 0 : i32
    return %min3A_1, %c0_i32, %c0_i32_2 : i32, i32, i32
  }
  func.func @transform_2(%arg0: i32) -> (i32, i32) {
    %c0_i32 = arith.constant 0 : i32
    %c0_i32_0 = arith.constant 0 : i32
    %c0_i32_1 = arith.constant 0 : i32
    return %c0_i32, %c0_i32_0 : i32, i32
  }
  func.func @transform_3(%arg0: i32) -> (i32, i32) {
    %c0_i32 = arith.constant 0 : i32
    %c0_i32_0 = arith.constant 0 : i32
    %c0_i32_1 = arith.constant 0 : i32
    return %c0_i32, %c0_i32_0 : i32, i32
  }
  func.func @transform_4(%arg0: i32) -> (i32, i32) {
    %c0_i32 = arith.constant 0 : i32
    %c0_i32_0 = arith.constant 0 : i32
    %c0_i32_1 = arith.constant 0 : i32
    return %c0_i32, %c0_i32_0 : i32, i32
  }
  func.func @transform_5(%arg0: i32) -> (i32, i32) {
    %c0_i32 = arith.constant 0 : i32
    %c0_i32_0 = arith.constant 0 : i32
    %c0_i32_1 = arith.constant 0 : i32
    return %c0_i32, %c0_i32_0 : i32, i32
  }
  func.func @transform_6(%arg0: i32) -> (i32, i32) {
    %c0_i32 = arith.constant 0 : i32
    %c0_i32_0 = arith.constant 0 : i32
    %c0_i32_1 = arith.constant 0 : i32
    return %c0_i32, %c0_i32_0 : i32, i32
  }
}

module attributes {stable_mosaic.version = 14 : i64} {
  func.func @_attn_body(%arg0: i32, %arg1: memref<36x32x1024xf32, #tpu.memory_space<vmem>>, %arg2: memref<32x1024xf32, #tpu.memory_space<vmem>>, %arg3: memref<1024x1024xbf16, #tpu.memory_space<vmem>>, %arg4: memref<1024x1024xbf16, #tpu.memory_space<vmem>>, %arg5: memref<1x1024xf32, #tpu.memory_space<vmem>>, %arg6: memref<1x1024xf32, #tpu.memory_space<vmem>>, %arg7: memref<32x1024xf32, #tpu.memory_space<vmem>>) attributes {dimension_semantics = [#tpu.dimension_semantics<parallel>], iteration_bounds = array<i64: 16>, scalar_prefetch = 0 : i64, scratch_operands = 0 : i64, tpu.core_type = #tpu.core_type<tc>, window_params = [{transform_indices = @transform_0, window_bounds = array<i64: 36, 32, 1024>}, {transform_indices = @transform_1, window_bounds = array<i64: 32, 1024>}, {pipeline_mode = #tpu.pipeline_mode<synchronous>, transform_indices = @transform_2, window_bounds = array<i64: 1024, 1024>}, {pipeline_mode = #tpu.pipeline_mode<synchronous>, transform_indices = @transform_3, window_bounds = array<i64: 1024, 1024>}, {pipeline_mode = #tpu.pipeline_mode<synchronous>, transform_indices = @transform_4, window_bounds = array<i64: 1, 1024>}, {pipeline_mode = #tpu.pipeline_mode<synchronous>, transform_indices = @transform_5, window_bounds = array<i64: 1, 1024>}, {transform_indices = @transform_6, window_bounds = array<i64: 32, 1024>}]} {
    %get3A = arith.constant 0 : index
    %get3A_0 = arith.constant 0 : index
    %get3A_1 = arith.constant 0 : index
    %get3A_2 = vector.load %arg1[%get3A, %get3A_0, %get3A_1] : memref<36x32x1024xf32, #tpu.memory_space<vmem>>, vector<36x32x1024xf32>
    %abs3A = math.absf %get3A_2 : vector<36x32x1024xf32>
    %div3A = arith.constant 1.000000e+00 : f32
    %div3A_3 = vector.broadcast %div3A : f32 to vector<36x32x1024xf32>
    %div3A_4 = arith.divf %div3A_3, %abs3A : vector<36x32x1024xf32>
    %reduce_sum3A = arith.constant dense<0.000000e+00> : vector<32x1024xf32>
    %reduce_sum3A_5 = vector.multi_reduction <add>, %div3A_4, %reduce_sum3A [0] : vector<36x32x1024xf32> to vector<32x1024xf32>
    %div3A_6 = arith.constant 1.000000e+00 : f32
    %div3A_7 = vector.broadcast %div3A_6 : f32 to vector<32x1024xf32>
    %div3A_8 = arith.divf %div3A_7, %reduce_sum3A_5 : vector<32x1024xf32>
    %max3A = arith.constant 9.99999996E-13 : f32
    %max3A_9 = vector.broadcast %max3A : f32 to vector<32x1024xf32>
    %max3A_10 = arith.maximumf %div3A_8, %max3A_9 : vector<32x1024xf32>
    %broadcast_in_dim3A = vector.shape_cast %max3A_10 : vector<32x1024xf32> to vector<1x32x1024xf32>
    %div3A_11 = vector.broadcast %broadcast_in_dim3A : vector<1x32x1024xf32> to vector<36x32x1024xf32>
    %div3A_12 = arith.divf %get3A_2, %div3A_11 : vector<36x32x1024xf32>
    %get3A_13 = arith.constant 0 : index
    %get3A_14 = arith.constant 0 : index
    %get3A_15 = vector.load %arg2[%get3A_13, %get3A_14] : memref<32x1024xf32, #tpu.memory_space<vmem>>, vector<32x1024xf32>
    %convert_element_type3A = arith.truncf %get3A_15 : vector<32x1024xf32> to vector<32x1024xbf16>
    %get3A_16 = arith.constant 0 : index
    %get3A_17 = arith.constant 0 : index
    %get3A_18 = vector.load %arg4[%get3A_16, %get3A_17] : memref<1024x1024xbf16, #tpu.memory_space<vmem>>, vector<1024x1024xbf16>
    %dot_general3A = arith.constant dense<0.000000e+00> : vector<32x1024xf32>
    %dot_general3A_19 = tpu.matmul %convert_element_type3A, %get3A_18, %dot_general3A {dimension_numbers = #tpu.dot_dimension_numbers<[1], [0], [0], [1], [0, 0, 1, 1], [], []>, transpose_lhs_hint = false} : vector<32x1024xbf16>, vector<1024x1024xbf16>, vector<32x1024xf32> -> vector<32x1024xf32>
    %reshape3A = vector.shape_cast %div3A_12 : vector<36x32x1024xf32> to vector<1152x1024xf32>
    %convert_element_type3A_20 = arith.truncf %reshape3A : vector<1152x1024xf32> to vector<1152x1024xbf16>
    %get3A_21 = arith.constant 0 : index
    %get3A_22 = arith.constant 0 : index
    %get3A_23 = vector.load %arg3[%get3A_21, %get3A_22] : memref<1024x1024xbf16, #tpu.memory_space<vmem>>, vector<1024x1024xbf16>
    %dot_general3A_24 = arith.constant dense<0.000000e+00> : vector<1152x1024xf32>
    %dot_general3A_25 = tpu.matmul %convert_element_type3A_20, %get3A_23, %dot_general3A_24 {dimension_numbers = #tpu.dot_dimension_numbers<[1], [0], [0], [1], [0, 0, 1, 1], [], []>, transpose_lhs_hint = false} : vector<1152x1024xbf16>, vector<1024x1024xbf16>, vector<1152x1024xf32> -> vector<1152x1024xf32>
    %reshape3A_26 = vector.shape_cast %dot_general3A_25 : vector<1152x1024xf32> to vector<36x32x1024xf32>
    %broadcast_in_dim3A_27 = vector.shape_cast %dot_general3A_19 : vector<32x1024xf32> to vector<1x32x1024xf32>
    %add3A = vector.broadcast %broadcast_in_dim3A_27 : vector<1x32x1024xf32> to vector<36x32x1024xf32>
    %add3A_28 = arith.addf %reshape3A_26, %add3A : vector<36x32x1024xf32>
    %get3A_29 = arith.constant 0 : index
    %get3A_30 = arith.constant 0 : index
    %get3A_31 = vector.load %arg5[%get3A_29, %get3A_30] : memref<1x1024xf32, #tpu.memory_space<vmem>>, vector<1x1024xf32>
    %get3A_32 = vector.shape_cast %get3A_31 : vector<1x1024xf32> to vector<1024xf32>
    %broadcast_in_dim3A_33 = vector.shape_cast %get3A_32 : vector<1024xf32> to vector<1x1x1024xf32>
    %add3A_34 = vector.broadcast %broadcast_in_dim3A_33 : vector<1x1x1024xf32> to vector<36x32x1024xf32>
    %add3A_35 = arith.addf %add3A_28, %add3A_34 : vector<36x32x1024xf32>
    %max3A_36 = arith.constant 0.000000e+00 : f32
    %max3A_37 = vector.broadcast %max3A_36 : f32 to vector<36x32x1024xf32>
    %max3A_38 = arith.maximumf %add3A_35, %max3A_37 : vector<36x32x1024xf32>
    %get3A_39 = arith.constant 0 : index
    %get3A_40 = arith.constant 0 : index
    %get3A_41 = vector.load %arg6[%get3A_39, %get3A_40] : memref<1x1024xf32, #tpu.memory_space<vmem>>, vector<1x1024xf32>
    %get3A_42 = vector.shape_cast %get3A_41 : vector<1x1024xf32> to vector<1024xf32>
    %broadcast_in_dim3A_43 = vector.shape_cast %get3A_42 : vector<1024xf32> to vector<1x1x1024xf32>
    %mul3A = vector.broadcast %broadcast_in_dim3A_43 : vector<1x1x1024xf32> to vector<36x32x1024xf32>
    %mul3A_44 = arith.mulf %max3A_38, %mul3A : vector<36x32x1024xf32>
    %reduce_sum3A_45 = arith.constant dense<0.000000e+00> : vector<36x32xf32>
    %reduce_sum3A_46 = vector.multi_reduction <add>, %mul3A_44, %reduce_sum3A_45 [2] : vector<36x32x1024xf32> to vector<36x32xf32>
    %reduce_max3A = arith.constant dense<0xFF800000> : vector<32xf32>
    %reduce_max3A_47 = vector.multi_reduction <maximumf>, %reduce_sum3A_46, %reduce_max3A [0] : vector<36x32xf32> to vector<32xf32>
    %broadcast_in_dim3A_48 = vector.shape_cast %reduce_max3A_47 : vector<32xf32> to vector<1x32xf32>
    %sub3A = vector.broadcast %broadcast_in_dim3A_48 : vector<1x32xf32> to vector<36x32xf32>
    %sub3A_49 = arith.subf %reduce_sum3A_46, %sub3A : vector<36x32xf32>
    %exp3A = math.exp %sub3A_49 : vector<36x32xf32>
    %reduce_sum3A_50 = arith.constant dense<0.000000e+00> : vector<32xf32>
    %reduce_sum3A_51 = vector.multi_reduction <add>, %exp3A, %reduce_sum3A_50 [0] : vector<36x32xf32> to vector<32xf32>
    %broadcast_in_dim3A_52 = vector.shape_cast %reduce_sum3A_51 : vector<32xf32> to vector<1x32xf32>
    %div3A_53 = vector.broadcast %broadcast_in_dim3A_52 : vector<1x32xf32> to vector<36x32xf32>
    %div3A_54 = arith.divf %exp3A, %div3A_53 : vector<36x32xf32>
    %broadcast_in_dim3A_55 = vector.shape_cast %div3A_54 : vector<36x32xf32> to vector<36x32x1xf32>
    %mul3A_56 = vector.broadcast %broadcast_in_dim3A_55 : vector<36x32x1xf32> to vector<36x32x1024xf32>
    %mul3A_57 = arith.mulf %mul3A_56, %div3A_12 : vector<36x32x1024xf32>
    %reduce_sum3A_58 = arith.constant dense<0.000000e+00> : vector<32x1024xf32>
    %reduce_sum3A_59 = vector.multi_reduction <add>, %mul3A_57, %reduce_sum3A_58 [0] : vector<36x32x1024xf32> to vector<32x1024xf32>
    %swap3A = arith.constant 0 : index
    %swap3A_60 = arith.constant 0 : index
    %swap3A_61 = vector.load %arg7[%swap3A, %swap3A_60] : memref<32x1024xf32, #tpu.memory_space<vmem>>, vector<32x1024xf32>
    tpu.vector_store %arg7[%swap3A, %swap3A_60], %reduce_sum3A_59 {strides = array<i32>} : memref<32x1024xf32, #tpu.memory_space<vmem>>, vector<32x1024xf32>,
    return
  }
  func.func @transform_0(%arg0: i32) -> (i32, i32, i32) {
    %c0_i32 = arith.constant 0 : i32
    %c0_i32_0 = arith.constant 0 : i32
    %c0_i32_1 = arith.constant 0 : i32
    return %c0_i32, %arg0, %c0_i32_0 : i32, i32, i32
  }
  func.func @transform_1(%arg0: i32) -> (i32, i32) {
    %c0_i32 = arith.constant 0 : i32
    %c0_i32_0 = arith.constant 0 : i32
    return %arg0, %c0_i32 : i32, i32
  }
  func.func @transform_2(%arg0: i32) -> (i32, i32) {
    %c0_i32 = arith.constant 0 : i32
    %c0_i32_0 = arith.constant 0 : i32
    %c0_i32_1 = arith.constant 0 : i32
    return %c0_i32, %c0_i32_0 : i32, i32
  }
  func.func @transform_3(%arg0: i32) -> (i32, i32) {
    %c0_i32 = arith.constant 0 : i32
    %c0_i32_0 = arith.constant 0 : i32
    %c0_i32_1 = arith.constant 0 : i32
    return %c0_i32, %c0_i32_0 : i32, i32
  }
  func.func @transform_4(%arg0: i32) -> (i32, i32) {
    %c0_i32 = arith.constant 0 : i32
    %c0_i32_0 = arith.constant 0 : i32
    %c0_i32_1 = arith.constant 0 : i32
    return %c0_i32, %c0_i32_0 : i32, i32
  }
  func.func @transform_5(%arg0: i32) -> (i32, i32) {
    %c0_i32 = arith.constant 0 : i32
    %c0_i32_0 = arith.constant 0 : i32
    %c0_i32_1 = arith.constant 0 : i32
    return %c0_i32, %c0_i32_0 : i32, i32
  }
  func.func @transform_6(%arg0: i32) -> (i32, i32) {
    %c0_i32 = arith.constant 0 : i32
    %c0_i32_0 = arith.constant 0 : i32
    return %arg0, %c0_i32 : i32, i32
  }
}

module attributes {stable_mosaic.version = 14 : i64} {
  func.func @_head_body(%arg0: memref<512x1024xf32, #tpu.memory_space<vmem>>, %arg1: memref<512x1024xf32, #tpu.memory_space<vmem>>, %arg2: memref<1024x1024xbf16, #tpu.memory_space<vmem>>, %arg3: memref<1024x1024xbf16, #tpu.memory_space<vmem>>, %arg4: memref<1x1024xf32, #tpu.memory_space<vmem>>, %arg5: memref<1024x1024xbf16, #tpu.memory_space<vmem>>, %arg6: memref<1x1024xf32, #tpu.memory_space<vmem>>, %arg7: memref<1024x3000xbf16, #tpu.memory_space<vmem>>, %arg8: memref<1x3000xf32, #tpu.memory_space<vmem>>, %arg9: memref<512x3000xf32, #tpu.memory_space<vmem>>) attributes {dimension_semantics = [], scalar_prefetch = 0 : i64, scratch_operands = 0 : i64, tpu.core_type = #tpu.core_type<tc>} {
    %get3A = arith.constant 0 : index
    %get3A_0 = arith.constant 0 : index
    %get3A_1 = vector.load %arg0[%get3A, %get3A_0] : memref<512x1024xf32, #tpu.memory_space<vmem>>, vector<512x1024xf32>
    %convert_element_type3A = arith.truncf %get3A_1 : vector<512x1024xf32> to vector<512x1024xbf16>
    %get3A_2 = arith.constant 0 : index
    %get3A_3 = arith.constant 0 : index
    %get3A_4 = vector.load %arg2[%get3A_2, %get3A_3] : memref<1024x1024xbf16, #tpu.memory_space<vmem>>, vector<1024x1024xbf16>
    %dot_general3A = arith.constant dense<0.000000e+00> : vector<512x1024xf32>
    %dot_general3A_5 = tpu.matmul %convert_element_type3A, %get3A_4, %dot_general3A {dimension_numbers = #tpu.dot_dimension_numbers<[1], [0], [0], [1], [0, 0, 1, 1], [], []>, transpose_lhs_hint = false} : vector<512x1024xbf16>, vector<1024x1024xbf16>, vector<512x1024xf32> -> vector<512x1024xf32>
    %get3A_6 = arith.constant 0 : index
    %get3A_7 = arith.constant 0 : index
    %get3A_8 = vector.load %arg1[%get3A_6, %get3A_7] : memref<512x1024xf32, #tpu.memory_space<vmem>>, vector<512x1024xf32>
    %convert_element_type3A_9 = arith.truncf %get3A_8 : vector<512x1024xf32> to vector<512x1024xbf16>
    %get3A_10 = arith.constant 0 : index
    %get3A_11 = arith.constant 0 : index
    %get3A_12 = vector.load %arg3[%get3A_10, %get3A_11] : memref<1024x1024xbf16, #tpu.memory_space<vmem>>, vector<1024x1024xbf16>
    %dot_general3A_13 = arith.constant dense<0.000000e+00> : vector<512x1024xf32>
    %dot_general3A_14 = tpu.matmul %convert_element_type3A_9, %get3A_12, %dot_general3A_13 {dimension_numbers = #tpu.dot_dimension_numbers<[1], [0], [0], [1], [0, 0, 1, 1], [], []>, transpose_lhs_hint = false} : vector<512x1024xbf16>, vector<1024x1024xbf16>, vector<512x1024xf32> -> vector<512x1024xf32>
    %add3A = arith.addf %dot_general3A_5, %dot_general3A_14 : vector<512x1024xf32>
    %get3A_15 = arith.constant 0 : index
    %get3A_16 = arith.constant 0 : index
    %get3A_17 = vector.load %arg4[%get3A_15, %get3A_16] : memref<1x1024xf32, #tpu.memory_space<vmem>>, vector<1x1024xf32>
    %get3A_18 = vector.shape_cast %get3A_17 : vector<1x1024xf32> to vector<1024xf32>
    %broadcast_in_dim3A = vector.shape_cast %get3A_18 : vector<1024xf32> to vector<1x1024xf32>
    %add3A_19 = vector.broadcast %broadcast_in_dim3A : vector<1x1024xf32> to vector<512x1024xf32>
    %add3A_20 = arith.addf %add3A, %add3A_19 : vector<512x1024xf32>
    %max3A = arith.constant 0.000000e+00 : f32
    %max3A_21 = vector.broadcast %max3A : f32 to vector<512x1024xf32>
    %max3A_22 = arith.maximumf %add3A_20, %max3A_21 : vector<512x1024xf32>
    %convert_element_type3A_23 = arith.truncf %max3A_22 : vector<512x1024xf32> to vector<512x1024xbf16>
    %get3A_24 = arith.constant 0 : index
    %get3A_25 = arith.constant 0 : index
    %get3A_26 = vector.load %arg5[%get3A_24, %get3A_25] : memref<1024x1024xbf16, #tpu.memory_space<vmem>>, vector<1024x1024xbf16>
    %dot_general3A_27 = arith.constant dense<0.000000e+00> : vector<512x1024xf32>
    %dot_general3A_28 = tpu.matmul %convert_element_type3A_23, %get3A_26, %dot_general3A_27 {dimension_numbers = #tpu.dot_dimension_numbers<[1], [0], [0], [1], [0, 0, 1, 1], [], []>, transpose_lhs_hint = false} : vector<512x1024xbf16>, vector<1024x1024xbf16>, vector<512x1024xf32> -> vector<512x1024xf32>
    %get3A_29 = arith.constant 0 : index
    %get3A_30 = arith.constant 0 : index
    %get3A_31 = vector.load %arg6[%get3A_29, %get3A_30] : memref<1x1024xf32, #tpu.memory_space<vmem>>, vector<1x1024xf32>
    %get3A_32 = vector.shape_cast %get3A_31 : vector<1x1024xf32> to vector<1024xf32>
    %broadcast_in_dim3A_33 = vector.shape_cast %get3A_32 : vector<1024xf32> to vector<1x1024xf32>
    %add3A_34 = vector.broadcast %broadcast_in_dim3A_33 : vector<1x1024xf32> to vector<512x1024xf32>
    %add3A_35 = arith.addf %dot_general3A_28, %add3A_34 : vector<512x1024xf32>
    %max3A_36 = arith.constant 0.000000e+00 : f32
    %max3A_37 = vector.broadcast %max3A_36 : f32 to vector<512x1024xf32>
    %max3A_38 = arith.maximumf %add3A_35, %max3A_37 : vector<512x1024xf32>
    %convert_element_type3A_39 = arith.truncf %max3A_38 : vector<512x1024xf32> to vector<512x1024xbf16>
    %get3A_40 = arith.constant 0 : index
    %get3A_41 = arith.constant 0 : index
    %get3A_42 = vector.load %arg7[%get3A_40, %get3A_41] : memref<1024x3000xbf16, #tpu.memory_space<vmem>>, vector<1024x3000xbf16>
    %dot_general3A_43 = arith.constant dense<0.000000e+00> : vector<512x3000xf32>
    %dot_general3A_44 = tpu.matmul %convert_element_type3A_39, %get3A_42, %dot_general3A_43 {dimension_numbers = #tpu.dot_dimension_numbers<[1], [0], [0], [1], [0, 0, 1, 1], [], []>, transpose_lhs_hint = false} : vector<512x1024xbf16>, vector<1024x3000xbf16>, vector<512x3000xf32> -> vector<512x3000xf32>
    %get3A_45 = arith.constant 0 : index
    %get3A_46 = arith.constant 0 : index
    %get3A_47 = vector.load %arg8[%get3A_45, %get3A_46] : memref<1x3000xf32, #tpu.memory_space<vmem>>, vector<1x3000xf32>
    %get3A_48 = vector.shape_cast %get3A_47 : vector<1x3000xf32> to vector<3000xf32>
    %broadcast_in_dim3A_49 = vector.shape_cast %get3A_48 : vector<3000xf32> to vector<1x3000xf32>
    %add3A_50 = vector.broadcast %broadcast_in_dim3A_49 : vector<1x3000xf32> to vector<512x3000xf32>
    %add3A_51 = arith.addf %dot_general3A_44, %add3A_50 : vector<512x3000xf32>
    %swap3A = arith.constant 0 : index
    %swap3A_52 = arith.constant 0 : index
    %swap3A_53 = vector.load %arg9[%swap3A, %swap3A_52] : memref<512x3000xf32, #tpu.memory_space<vmem>>, vector<512x3000xf32>
    tpu.vector_store %arg9[%swap3A, %swap3A_52], %add3A_51 {strides = array<i32>} : memref<512x3000xf32, #tpu.memory_space<vmem>>, vector<512x3000xf32>,
    return
  }
}

</mosaic_0001>

<sc_bundles>
// kernel: kernel.6.cloned.1.call-start
scs
__scs_entry_jumppad:
0x0: {  	(pc) =	sbr.rel $0x88, $3  }
0x1: {  	(tag) =	ssettag $0x0;
	lr =	simm.s32 $0x1  }
0x2: {  	[smem:$0x3F91] =	sst lr;
	_ =	strace $0xD0000000  }
0x3: {  	_ = 	snop  }
0x4: {  	_ = 	snop  }
0x5: {  	_ = 	snop  }
0x6: {  	_ = 	snop  }
0x7: {  	_ = 	snop  }
__scs_overlays_trampoline_lowered:
0x8: {  	[smem:$0x3FA0] =	sst s0  }
0x9: {  	[smem:$0x3FA1] =	sst s1  }
0xa: {  	[smem:$0x3FA2] =	sst s2  }
0xb: {  	[smem:$0x3FA3] =	sst s3  }
0xc: {  	[smem:$0x3FA4] =	sst s4  }
0xd: {  	[smem:$0x3FA5] =	sst s5  }
0xe: {  	[smem:$0x3FA6] =	sst s6  }
0xf: {  	[smem:$0x3FA7] =	sst s7  }
0x10: {  	[smem:$0x3FA8] =	sst s8  }
0x11: {  	[smem:$0x3FA9] =	sst s9;
	s0 =	simm.s32 @!p0 $0x0  }
0x12: {  	s1 =	sld [smem:$0x3F8F];
	s0 =	simm.s32 @p0 $0x1  }
0x13: {  	[smem:$0x3FAA] =	sst s0;
	s0 =	simm.s32 @!p1 $0x0  }
0x14: {  	s2 =	sld [smem:$0x3F8E];
	s0 =	simm.s32 @p1 $0x1  }
0x15: {  	[smem:$0x3FAB] =	sst s0;
	s0 =	simm.s32 @!p2 $0x0  }
0x16: {  	s3 =	sld [smem:$0x3FDB];
	s0 =	simm.s32 @p2 $0x1  }
0x17: {  	s4 =	simm.s32 $0x1BF5;
	[smem:$0x3FAD] =	sst s0  }
0x18: {  	s0 =	sld [smem:$0x3F90];
	_ =	swait.ge [sflag:s4], $0x0  }
0x19: {  	s7 =	sld [smem:$0x3F91]  }
0x1a: {  	s8 =	sadd.s32 $0xFFFFE003, lr  }
0x1b: {  	s9 =	sadd.s32 $0xFFFFFEF7, lr;
	s5 =	simm.s32 $0xFFFFFFFF;
	p2 =	slt.u32 s8, $0xFFFFF086  }
0x1c: {  	p1 =	slt.u32 s9, $0xF7A;
	s5 =	simm.s32 @!p2 $0x0  }
0x1d: {  	s5 =	simm.s32 @p1 $0x1;
	p0 =	seq.s32 s7, s2  }
0x1e: {  	s7 =	smul.u32 @!p0 $0xF7A, s2;
	p2 =	seq.s32 @!p0 s5, $0x0  }
0x1f: {  	s9 =	smul.u32 $0xF7A, s1;
	s8 =	simm.s32 @!p0 $0x1BF5;
	p2 =	por !p2, p0  }
0x20: {  	[sflag:s8] =	ssyncset.s32 @!p0 $0xFFFFF086;
	s6 =	sadd.s32 @!p0 s3, s7;
	s7 =	simm.s32 @!p0 $0x108  }
0x21: {  	s3 =	sadd.s32 s3, s9;
	s6 =	sadd.s32 @!p0 $0x88, s6;
	s7 =	simm.s32 @p2 $0x1082  }
0x22: {  	[simem:s7], [sflag:s8] =	dma.local @!p0 [hbm:s6], $0xF7A  }
0x23: {  	s9 =	sor.u32 $0xD0000000, s2;
	s6 =	simm.s32 $0x108;
	_ =	swait.ge @!p0 [sflag:s8], $0x0  }
0x24: {  	s3 =	sadd.s32 $0x88, s3;
	s6 =	simm.s32 @!p1 $0x1082;
	[sflag:s4] =	ssyncset.s32 $0xFFFFF086  }
0x25: {  	[simem:s6], [sflag:s4] =	dma.local [hbm:s3], $0xF7A  }
0x26: {  	[smem:$0x3F91] =	sst s1;
	(tag) =	ssettag s2;
	_ =	strace s9  }
0x27: {  	s1 =	sld [smem:$0x3FA1]  }
0x28: {  	s2 =	sld [smem:$0x3FA2]  }
0x29: {  	s4 =	sld [smem:$0x3FA4]  }
0x2a: {  	p0 =	seq.s32 s5, $0x0;
	s5 =	sld [smem:$0x3FA5]  }
0x2b: {  	s6 =	sld [smem:$0x3FA6]  }
0x2c: {  	s7 =	sld [smem:$0x3FA7]  }
0x2d: {  	s3 =	simm.s32 $0x108;
	s8 =	sld [smem:$0x3FA8]  }
0x2e: {  	s3 =	simm.s32 @!p0 $0x1082;
	s9 =	sld [smem:$0x3FA9]  }
0x2f: {  	lr =	sadd.s32 s0, s3;
	s0 =	sld [smem:$0x3FA0]  }
0x30: {  	s3 =	sld [smem:$0x3FA3]  }
0x31: {  	[smem:$0x3FAC] =	sst s10  }
0x32: {  	s10 =	sld [smem:$0x3FAA];
	_ =	sdelay $0x3  }
0x33: {  	p0 =	seq.s32 s10, $0x1;
	s10 =	sld [smem:$0x3FAC];
	_ =	sdelay $0x3  }
0x34: {  	[smem:$0x3FAC] =	sst s10  }
0x35: {  	s10 =	sld [smem:$0x3FAB];
	_ =	sdelay $0x3  }
0x36: {  	p1 =	seq.s32 s10, $0x1;
	s10 =	sld [smem:$0x3FAC];
	_ =	sdelay $0x3  }
0x37: {  	[smem:$0x3FAC] =	sst s10  }
0x38: {  	s10 =	sld [smem:$0x3FAD]  }
0x39: {  	_ = 	snop;
	(pc) =	sbr.ind lr, $3  }
0x3a: {  	_ = 	snop  }
0x3b: {  	_ = 	snop  }
0x3c: {  	p2 =	seq.s32 s10, $0x1;
	s10 =	sld [smem:$0x3FAC]  }
0x3d: {  	_ =	shalt  }
0x3e: {  	_ =	shalt  }
0x3f: {  	_ =	shalt  }
0x40: {  	_ =	shalt  }
0x41: {  	_ =	shalt  }
0x42: {  	_ =	shalt  }
0x43: {  	_ =	shalt  }
0x44: {  	_ =	shalt  }
0x45: {  	_ =	shalt  }
0x46: {  	_ =	shalt  }
0x47: {  	_ =	shalt  }
0x48: {  	_ =	shalt  }
0x49: {  	_ =	shalt  }
0x4a: {  	_ =	shalt  }
0x4b: {  	_ =	shalt  }
0x4c: {  	_ =	shalt  }
0x4d: {  	_ =	shalt  }
0x4e: {  	_ =	shalt  }
0x4f: {  	_ =	shalt  }
0x50: {  	_ =	shalt  }
0x51: {  	_ =	shalt  }
0x52: {  	_ =	shalt  }
0x53: {  	_ =	shalt  }
0x54: {  	_ =	shalt  }
0x55: {  	_ =	shalt  }
0x56: {  	_ =	shalt  }
0x57: {  	_ =	shalt  }
0x58: {  	_ =	shalt  }
0x59: {  	_ =	shalt  }
0x5a: {  	_ =	shalt  }
0x5b: {  	_ =	shalt  }
0x5c: {  	_ =	shalt  }
0x5d: {  	_ =	shalt  }
0x5e: {  	_ =	shalt  }
0x5f: {  	_ =	shalt  }
0x60: {  	_ =	shalt  }
0x61: {  	_ =	shalt  }
0x62: {  	_ =	shalt  }
0x63: {  	_ =	shalt  }
0x64: {  	_ =	shalt  }
0x65: {  	_ =	shalt  }
0x66: {  	_ =	shalt  }
0x67: {  	_ =	shalt  }
0x68: {  	_ =	shalt  }
0x69: {  	_ =	shalt  }
0x6a: {  	_ =	shalt  }
0x6b: {  	_ =	shalt  }
0x6c: {  	_ =	shalt  }
0x6d: {  	_ =	shalt  }
0x6e: {  	_ =	shalt  }
0x6f: {  	_ =	shalt  }
0x70: {  	_ =	shalt  }
0x71: {  	_ =	shalt  }
0x72: {  	_ =	shalt  }
0x73: {  	_ =	shalt  }
0x74: {  	_ =	shalt  }
0x75: {  	_ =	shalt  }
0x76: {  	_ =	shalt  }
0x77: {  	_ =	shalt  }
0x78: {  	_ =	shalt  }
0x79: {  	_ =	shalt  }
0x7a: {  	_ =	shalt  }
0x7b: {  	_ =	shalt  }
0x7c: {  	_ =	shalt  }
0x7d: {  	_ =	shalt  }
0x7e: {  	_ =	shalt  }
0x7f: {  	_ =	shalt  }
0x80: {  	_ =	shalt  }
0x81: {  	_ =	shalt  }
0x82: {  	_ =	shalt  }
0x83: {  	_ =	shalt  }
0x84: {  	_ =	shalt  }
0x85: {  	_ =	shalt  }
0x86: {  	_ =	shalt  }
0x87: {  	_ =	shalt  }
.Lfunc_end0:
.L_simem_size_0:
called_computation_lowered:
.L_overlay_start_0:
0x88: {  	s2 =	sld [smem:$0x3FD9]  }
0x89: {  	s3 =	sld [smem:$0x3FFE];
	_ =	sdelay $0x1  }
0x8a: {  	s1 =	srdreg.scid  }
0x8b: {  	s0 =	sand.u32 $0x1, s1  }
0x8c: {  	s17 =	sshll.u32 s0, $0xA;
	s2 =	sadd.s32 s3, s2  }
0x8d: {  	s2 =	sadd.s32 s2, s17  }
0x8e: {  	[smem:$0x3FB8] =	sst s2  }
0x8f: {  	_ = 	snop  }
0x90: {  	s2 =	sld [smem:$0x3FC7]  }
0x91: {  	s18 =	sld [smem:$0x3FD0];
	(tm) =	ssettm $0x1  }
0x92: {  	s4 =	sld [smem:$0x3FFB];
	_ =	sdelay $0x3  }
0x93: {  	_ =	strace s4  }
0x94: {  	s4 =	sld [smem:$0x3FFC];
	_ =	sdelay $0x3  }
0x95: {  	_ =	strace s4  }
0x96: {  	s4 =	sld [smem:$0x3FFD];
	_ =	sdelay $0x3  }
0x97: {  	_ =	strace s4  }
0x98: {  	_ =	strace $0x8FFFFFFF  }
0x99: {  	s19 =	sld [smem:$0x3FDB];
	_ =	sdelay $0x1  }
0x9a: {  	s5 =	simm.s32 $_scs_section_size  }
0x9b: {  	s6 =	simm.s32 $_size__tile_overlayer_lowered;
	s7 =	simm.s32 $_tile_overlayer_lowered  }
0x9c: {  	s22 =	simm.s32 $0x1BFF;
	s21 =	sshll.u32 s7, $0x1;
	s4 =	sadd.s32 s5, s19  }
0x9d: {  	s8 =	simm.s32 $0x0;
	s20 =	sshll.u32 s6, $0x1;
	s6 =	sadd.s32 s21, s4  }
0x9e: {  	[timem:s8], [sflag:s22] =	dma.local [hbm:s6], s20  }
0x9f: {  	_ =	swait.ge [sflag:s22], s20  }
0xa0: {  	s5 =	ssub.s32 $0x0, s20;
	[sflag:s22] =	ssyncset.done $0x0  }
0xa1: {  	[sflag:s22] =	ssyncadd.s32 s5;
	_ =	sdelay $0x1  }
0xa2: {  	s23 =	simm.s32 $0x1B8B  }
0xa3: {  	_ =	swait.ge [sflag:s23], $0x1  }
0xa4: {  	[sflag:s23] =	ssyncset.done $0x0  }
0xa5: {  	s25 =	simm.s32 $0x1B8E;
	s24 =	sld [smem:$0x3FFE];
	[sflag:s23] =	ssyncadd.s32 $0xFFFFFFFF  }
0xa6: {  	s26 =	simm.s32 $execute0_lowered;
	[smem:$0x3FD2] =	sst s25  }
0xa7: {  	s6 =	sshll.u32 s26, $0x1;
	_ =	strace $0x80000046;
	[dreg:$0x1] =	wrdreg $0xFFFFFFFF  }
0xa8: {  	s28 =	simm.s32 $_size_execute0_lowered;
	s4 =	sadd.s32 s4, s6;
	[dreg:$0x0] =	wrdreg $0x0  }
0xa9: {  	s6 =	sshll.u32 s28, $0x1;
	[dreg:$0x2] =	wrdreg s4  }
0xaa: {  	[dreg:$0x3] =	wrdreg s6  }
0xab: {  	[dreg:$0x4] =	wrdreg $0xC0  }
0xac: {  	_ =	task [dreg:s8], $0x5FFFF  }
0xad: {  	[dreg:$0x1] =	wrdreg $0xFFFFFFFF  }
0xae: {  	[dreg:$0x0] =	wrdreg $0x60  }
0xaf: {  	[dreg:$0x2] =	wrdreg s18  }
0xb0: {  	[dreg:$0x3] =	wrdreg s2  }
0xb1: {  	[dreg:$0x4] =	wrdreg s24  }
0xb2: {  	[dreg:$0x5] =	wrdreg $0x9  }
0xb3: {  	_ =	task.clear_ibuf [dreg:s8], $0x6FFFF;
	_ =	strace $0x90000046  }
0xb4: {  	s29 =	simm.s32 $0x9;
	_ =	strace $0x80000048  }
0xb5: {  	_ =	swait.ge [sflag:s29], $0x1  }
0xb6: {  	[sflag:s29] =	ssyncadd.s32 $0xFFFFFFFF  }
0xb7: {  	_ =	strace $0x90000048  }
0xb8: {  	_ =	sfence  }
0xb9: {  	s30 =	sld [smem:$0x0];
	_ =	sdelay $0x2  }
0xba: {  	s31 =	sshll.u32 s1, $0xD;
	s1 =	sshrl.u32 s1, $0x2  }
0xbb: {  	s3 =	sand.u32 $0x4000, s31;
	s1 =	sadd.s32 s1, s30  }
0xbc: {  	s0 =	sor.u32 s3, s0;
	s1 =	sshll.u32 s1, $0x11  }
0xbd: {  	s0 =	sor.u32 s1, s0  }
0xbe: {  	s0 =	sadd.s32 $0x8F2B, s0  }
0xbf: {  	[sflag:s0] =	ssyncadd.remote.s32 $0x1  }
0xc0: {  	_ =	sfence.sel $0xFFFF  }
0xc1: {  	[dreg:$0x0] =	wrdreg $0xFFFFFFFF;
	(pc) =	sbr.abs _section_cstart, $3  }
0xc2: {  	[dreg:$0x1] =	wrdreg $0xFFFFFFFF  }
0xc3: {  	_ =	task.clear_ibuf [dreg:s8], $0x2FFFF;
	_ =	strace $0x9FFFFFFF  }
0xc4: {  	(tm) =	ssettm $0x7FFFFFFF  }
0xc5: {  	_ =	shalt  }
tec
execute0_lowered:
.L_overlay_start_1:
0x0: {  	(tag) =	ssettag $0x1  }
0x1: {  	s0 =	rddreg [dreg:$0x0]  }
0x2: {  	s1 =	srdreg.scid;
	s3 =	stileid.u32  }
0x3: {  	s2 =	rddreg [dreg:$0x1];
	s1 =	sand.u32 $0x1, s1;
	s5 =	sshll.u32 s3, $0x1  }
0x4: {  	s4 =	rddreg [dreg:$0x2];
	s3 =	simm.s32 $0x0;
	s5 =	sor.u32 s1, s5  }
0x5: {  	s9 =	sadd.s32 $0x2600, s4;
	s1 =	ssub.s32 $0x2, s1;
	s6 =	smul.u32 $0x140, s5  }
0x6: {  	[smem:$0x7FF] =	sst s3;
	s7 =	sshrl.u32 s1, $0x1;
	s5 =	smul.u32 $0xA000, s5  }
0x7: {  	s4 =	sadd.s32 $0x100, s2;
	_ =	strace $0x80000047;
	s1 =	ssub.s32 s1, s7  }
0x8: {  	s8 =	sshrl.u32 s6, $0x3;
	s5 =	sadd.s32 s9, s5;
	s18 =	sadd.s32 $0x40, s6  }
0x9: {  	s20 =	sadd.s32 $0x80, s6;
	s25 =	sadd.s32 $0xC0, s6;
	s6 =	sadd.s32 $0x100, s6  }
0xa: {  	s17 =	sadd.s32 s0, s8;
	[dreg:$0x5] =	wrdreg s5;
	s19 =	sshrl.u32 s18, $0x3  }
0xb: {  	s7 =	sshll.u32 s18, $0x7;
	s22 =	sshrl.u32 s20, $0x3;
	s24 =	sshll.u32 s20, $0x7  }
0xc: {  	s26 =	sshrl.u32 s25, $0x3;
	[dreg:$0x4] =	wrdreg s17;
	s5 =	sadd.s32 s0, s19  }
0xd: {  	s8 =	sshll.u32 s25, $0x7;
	s21 =	sadd.s32 s9, s7;
	[dreg:$0x6] =	wrdreg s5  }
0xe: {  	s29 =	sshrl.u32 s6, $0x3;
	s23 =	sadd.s32 s0, s22;
	[dreg:$0x7] =	wrdreg s21  }
0xf: {  	s30 =	sshll.u32 s6, $0x7;
	s7 =	sadd.s32 s9, s24;
	[dreg:$0x8] =	wrdreg s23  }
0x10: {  	s6 =	sadd.s32 $0x300, s2;
	s28 =	sadd.s32 s9, s8;
	[dreg:$0x9] =	wrdreg s7  }
0x11: {  	s18 =	simm.s32 $0x1;
	s31 =	sadd.s32 s9, s30;
	[dreg:$0xb] =	wrdreg s28  }
0x12: {  	v2 =	vlaneseq.u32;
	s8 =	simm.s32 $0x2;
	s7 =	sadd.s32 s0, s26;
	[dreg:$0xd] =	wrdreg s31  }
0x13: {  	vm0 =	vmmov $0xffff;
	v1 =	vshrl.u32 v2, $0x3;
	s5 =	sadd.s32 $0x200, s2;
	s0 =	sadd.s32 s0, s29;
	[dreg:$0xa] =	wrdreg s7  }
0x14: {  	v0 =	vand.u32 $0x7, v2;
	v2 =	vor.u32 $0x8, v2;
	v1 =	vmul.u32 $0x8, v1;
	s23 =	simm.s32 $0x80;
	[dreg:$0xc] =	wrdreg s0;
	s7 =	smax.u32 s1, $0x1  }
.LBB2_1:
0x15: {  	s19 =	rddreg [dreg:$0x4]  }
0x16: {  	[tilespmem:s3], [sflag:$0x2] =	stream.linear.gather [hbm4b:s19+s3], $0x40, $0x38;
	[tilespmem:$0x10080] =	vst v63  }
0x17: {  	_ =	swait.ge [sflag:s8], $0x40  }
0x18: {  	[sflag:s8] =	ssyncset.done $0x0  }
0x19: {  	[sflag:s8] =	ssyncadd.s32 $0xFFFFFFC0  }
0x1a: {  	v3 =	vld [tilespmem:$0x0];
	_ =	sdelay $0x4  }
0x1b: {  	v4 =	vshll.u32 v3, $0x3  }
0x1c: {  	v3 =	vand.u32 $0x7, v3;
	v4 =	vand.u32 $0xFFFFFFC0, v4  }
0x1d: {  	v3 =	vor.u32 v3, v4  }
0x1e: {  	v4 =	vperm.xlane v3, v0;
	_ =	sdelay $0x1  }
0x1f: {  	v4 =	vadd.s32 v1, v4;
	_ =	sdelay $0x4  }
0x20: {  	[tilespmem:s23], [sflag:$0x1] =	stream.indirect_vreg.gather [hbm4b:s2+s3], $0x80, v4, vm0, $0xb8;
	[tilespmem:$0x10080] =	vst v63  }
0x21: {  	s0 =	simm.s32 $0x880;
	v3 =	vperm.xlane v3, v2  }
0x22: {  	[tilespmem:s0], [sflag:$0x1] =	stream.indirect_vreg.gather [hbm4b:s4+s3], $0x80, v4, vm0, $0xb8;
	[tilespmem:$0x10080] =	vst v63  }
0x23: {  	s12 =	simm.s32 $0x1080;
	v3 =	vadd.s32 v1, v3  }
0x24: {  	[tilespmem:s12], [sflag:$0x1] =	stream.indirect_vreg.gather [hbm4b:s5+s3], $0x80, v4, vm0, $0xb8;
	[tilespmem:$0x10080] =	vst v63  }
0x25: {  	s13 =	simm.s32 $0x1880  }
0x26: {  	[tilespmem:s13], [sflag:$0x1] =	stream.indirect_vreg.gather [hbm4b:s6+s3], $0x80, v4, vm0, $0xb8;
	[tilespmem:$0x10080] =	vst v63  }
0x27: {  	s15 =	simm.s32 $0x2080  }
0x28: {  	[tilespmem:s15], [sflag:$0x1] =	stream.indirect_vreg.gather [hbm4b:s2+s3], $0x80, v3, vm0, $0xb8;
	[tilespmem:$0x10080] =	vst v63  }
0x29: {  	s16 =	simm.s32 $0x2880  }
0x2a: {  	[tilespmem:s16], [sflag:$0x1] =	stream.indirect_vreg.gather [hbm4b:s4+s3], $0x80, v3, vm0, $0xb8;
	[tilespmem:$0x10080] =	vst v63  }
0x2b: {  	s17 =	simm.s32 $0x3080  }
0x2c: {  	[tilespmem:s17], [sflag:$0x1] =	stream.indirect_vreg.gather [hbm4b:s5+s3], $0x80, v3, vm0, $0xb8;
	[tilespmem:$0x10080] =	vst v63  }
0x2d: {  	s19 =	simm.s32 $0x3880  }
0x2e: {  	[tilespmem:s19], [sflag:$0x1] =	stream.indirect_vreg.gather [hbm4b:s6+s3], $0x80, v3, vm0, $0xb8;
	[tilespmem:$0x10080] =	vst v63  }
0x2f: {  	v3 =	vld [tilespmem:$0x10];
	_ =	sdelay $0x4  }
0x30: {  	v45 =	vshll.u32 v3, $0x3  }
0x31: {  	v3 =	vand.u32 $0x7, v3;
	v4 =	vand.u32 $0xFFFFFFC0, v45  }
0x32: {  	v3 =	vor.u32 v3, v4  }
0x33: {  	v4 =	vperm.xlane v3, v0;
	_ =	sdelay $0x1  }
0x34: {  	v4 =	vadd.s32 v1, v4;
	_ =	sdelay $0x3  }
0x35: {  	s20 =	simm.s32 $0x4080  }
0x36: {  	[tilespmem:s20], [sflag:$0x1] =	stream.indirect_vreg.gather [hbm4b:s2+s3], $0x80, v4, vm0, $0xb8;
	[tilespmem:$0x10080] =	vst v63  }
0x37: {  	s21 =	simm.s32 $0x4880;
	v3 =	vperm.xlane v3, v2  }
0x38: {  	[tilespmem:s21], [sflag:$0x1] =	stream.indirect_vreg.gather [hbm4b:s4+s3], $0x80, v4, vm0, $0xb8;
	[tilespmem:$0x10080] =	vst v63  }
0x39: {  	s22 =	simm.s32 $0x5080;
	v3 =	vadd.s32 v1, v3  }
0x3a: {  	[tilespmem:s22], [sflag:$0x1] =	stream.indirect_vreg.gather [hbm4b:s5+s3], $0x80, v4, vm0, $0xb8;
	[tilespmem:$0x10080] =	vst v63  }
0x3b: {  	s24 =	simm.s32 $0x5880  }
0x3c: {  	[tilespmem:s24], [sflag:$0x1] =	stream.indirect_vreg.gather [hbm4b:s6+s3], $0x80, v4, vm0, $0xb8;
	[tilespmem:$0x10080] =	vst v63  }
0x3d: {  	s25 =	simm.s32 $0x6080  }
0x3e: {  	[tilespmem:s25], [sflag:$0x1] =	stream.indirect_vreg.gather [hbm4b:s2+s3], $0x80, v3, vm0, $0xb8;
	[tilespmem:$0x10080] =	vst v63  }
0x3f: {  	s26 =	simm.s32 $0x6880  }
0x40: {  	[tilespmem:s26], [sflag:$0x1] =	stream.indirect_vreg.gather [hbm4b:s4+s3], $0x80, v3, vm0, $0xb8;
	[tilespmem:$0x10080] =	vst v63  }
0x41: {  	s28 =	simm.s32 $0x7080  }
0x42: {  	[tilespmem:s28], [sflag:$0x1] =	stream.indirect_vreg.gather [hbm4b:s5+s3], $0x80, v3, vm0, $0xb8;
	[tilespmem:$0x10080] =	vst v63  }
0x43: {  	s29 =	simm.s32 $0x7880  }
0x44: {  	[tilespmem:s29], [sflag:$0x1] =	stream.indirect_vreg.gather [hbm4b:s6+s3], $0x80, v3, vm0, $0xb8;
	[tilespmem:$0x10080] =	vst v63  }
0x45: {  	v3 =	vld [tilespmem:$0x20];
	_ =	sdelay $0x4  }
0x46: {  	v46 =	vshll.u32 v3, $0x3  }
0x47: {  	v3 =	vand.u32 $0x7, v3;
	v4 =	vand.u32 $0xFFFFFFC0, v46  }
0x48: {  	v3 =	vor.u32 v3, v4  }
0x49: {  	v4 =	vperm.xlane v3, v0;
	_ =	sdelay $0x1  }
0x4a: {  	v4 =	vadd.s32 v1, v4;
	_ =	sdelay $0x3  }
0x4b: {  	s30 =	simm.s32 $0x8080  }
0x4c: {  	[tilespmem:s30], [sflag:$0x1] =	stream.indirect_vreg.gather [hbm4b:s2+s3], $0x80, v4, vm0, $0xb8;
	[tilespmem:$0x10080] =	vst v63  }
0x4d: {  	s16 =	simm.s32 $0x8880;
	v3 =	vperm.xlane v3, v2  }
0x4e: {  	[tilespmem:s16], [sflag:$0x1] =	stream.indirect_vreg.gather [hbm4b:s4+s3], $0x80, v4, vm0, $0xb8;
	[tilespmem:$0x10080] =	vst v63  }
0x4f: {  	s17 =	simm.s32 $0x9080;
	v3 =	vadd.s32 v1, v3  }
0x50: {  	[tilespmem:s17], [sflag:$0x1] =	stream.indirect_vreg.gather [hbm4b:s5+s3], $0x80, v4, vm0, $0xb8;
	[tilespmem:$0x10080] =	vst v63  }
0x51: {  	s19 =	simm.s32 $0x9880  }
0x52: {  	[tilespmem:s19], [sflag:$0x1] =	stream.indirect_vreg.gather [hbm4b:s6+s3], $0x80, v4, vm0, $0xb8;
	[tilespmem:$0x10080] =	vst v63  }
0x53: {  	s20 =	simm.s32 $0xA080  }
0x54: {  	[tilespmem:s20], [sflag:$0x1] =	stream.indirect_vreg.gather [hbm4b:s2+s3], $0x80, v3, vm0, $0xb8;
	[tilespmem:$0x10080] =	vst v63  }
0x55: {  	s21 =	simm.s32 $0xA880  }
0x56: {  	[tilespmem:s21], [sflag:$0x1] =	stream.indirect_vreg.gather [hbm4b:s4+s3], $0x80, v3, vm0, $0xb8;
	[tilespmem:$0x10080] =	vst v63  }
0x57: {  	s22 =	simm.s32 $0xB080  }
0x58: {  	[tilespmem:s22], [sflag:$0x1] =	stream.indirect_vreg.gather [hbm4b:s5+s3], $0x80, v3, vm0, $0xb8;
	[tilespmem:$0x10080] =	vst v63  }
0x59: {  	s25 =	simm.s32 $0xB880  }
0x5a: {  	[tilespmem:s25], [sflag:$0x1] =	stream.indirect_vreg.gather [hbm4b:s6+s3], $0x80, v3, vm0, $0xb8;
	[tilespmem:$0x10080] =	vst v63  }
0x5b: {  	v3 =	vld [tilespmem:$0x30];
	_ =	sdelay $0x4  }
0x5c: {  	v47 =	vshll.u32 v3, $0x3  }
0x5d: {  	v3 =	vand.u32 $0x7, v3;
	v4 =	vand.u32 $0xFFFFFFC0, v47  }
0x5e: {  	v3 =	vor.u32 v3, v4  }
0x5f: {  	v4 =	vperm.xlane v3, v0;
	_ =	sdelay $0x1  }
0x60: {  	v4 =	vadd.s32 v1, v4;
	_ =	sdelay $0x3  }
0x61: {  	s26 =	simm.s32 $0xC080  }
0x62: {  	[tilespmem:s26], [sflag:$0x1] =	stream.indirect_vreg.gather [hbm4b:s2+s3], $0x80, v4, vm0, $0xb8;
	[tilespmem:$0x10080] =	vst v63  }
0x63: {  	s29 =	simm.s32 $0xC880;
	v3 =	vperm.xlane v3, v2  }
0x64: {  	[tilespmem:s29], [sflag:$0x1] =	stream.indirect_vreg.gather [hbm4b:s4+s3], $0x80, v4, vm0, $0xb8;
	[tilespmem:$0x10080] =	vst v63  }
0x65: {  	s30 =	simm.s32 $0xD080;
	v3 =	vadd.s32 v1, v3  }
0x66: {  	[tilespmem:s30], [sflag:$0x1] =	stream.indirect_vreg.gather [hbm4b:s5+s3], $0x80, v4, vm0, $0xb8;
	[tilespmem:$0x10080] =	vst v63  }
0x67: {  	s0 =	simm.s32 $0xD880  }
0x68: {  	[tilespmem:s0], [sflag:$0x1] =	stream.indirect_vreg.gather [hbm4b:s6+s3], $0x80, v4, vm0, $0xb8;
	[tilespmem:$0x10080] =	vst v63  }
0x69: {  	s16 =	simm.s32 $0xE080  }
0x6a: {  	[tilespmem:s16], [sflag:$0x1] =	stream.indirect_vreg.gather [hbm4b:s2+s3], $0x80, v3, vm0, $0xb8;
	[tilespmem:$0x10080] =	vst v63  }
0x6b: {  	s17 =	simm.s32 $0xE880  }
0x6c: {  	[tilespmem:s17], [sflag:$0x1] =	stream.indirect_vreg.gather [hbm4b:s4+s3], $0x80, v3, vm0, $0xb8;
	[tilespmem:$0x10080] =	vst v63  }
0x6d: {  	s29 =	simm.s32 $0xF080  }
0x6e: {  	[tilespmem:s29], [sflag:$0x1] =	stream.indirect_vreg.gather [hbm4b:s5+s3], $0x80, v3, vm0, $0xb8;
	[tilespmem:$0x10080] =	vst v63  }
0x6f: {  	s30 =	simm.s32 $0xF880  }
0x70: {  	[tilespmem:s30], [sflag:$0x1] =	stream.indirect_vreg.gather [hbm4b:s6+s3], $0x80, v3, vm0, $0xb8;
	[tilespmem:$0x10080] =	vst v63  }
0x71: {  	_ =	swait.ge [sflag:s18], $0x10000  }
0x72: {  	[sflag:s18] =	ssyncset.done $0x0  }
0x73: {  	s0 =	rddreg [dreg:$0x5];
	[sflag:s18] =	ssyncadd.s32 $0xFFFF0000  }
0x74: {  	[hbm4b:s0+s3] =	stream.linear.scatter [tilespmem:s23], [sflag:$0x2], $0x10000, $0x38;
	[tilespmem:$0x10080] =	vst v63  }
0x75: {  	_ =	swait.ge [sflag:s8], $0x10000  }
0x76: {  	[sflag:s8] =	ssyncset.done $0x0  }
0x77: {  	s16 =	rddreg [dreg:$0x6];
	[sflag:s8] =	ssyncadd.s32 $0xFFFF0000  }
0x78: {  	[tilespmem:s3], [sflag:$0x2] =	stream.linear.gather [hbm4b:s16+s3], $0x40, $0x38;
	[tilespmem:$0x10080] =	vst v63  }
0x79: {  	_ =	swait.ge [sflag:s8], $0x40  }
0x7a: {  	[sflag:s8] =	ssyncset.done $0x0  }
0x7b: {  	[sflag:s8] =	ssyncadd.s32 $0xFFFFFFC0  }
0x7c: {  	v3 =	vld [tilespmem:$0x0];
	_ =	sdelay $0x4  }
0x7d: {  	v48 =	vshll.u32 v3, $0x3  }
0x7e: {  	v3 =	vand.u32 $0x7, v3;
	v4 =	vand.u32 $0xFFFFFFC0, v48  }
0x7f: {  	v3 =	vor.u32 v3, v4  }
0x80: {  	v4 =	vperm.xlane v3, v0;
	_ =	sdelay $0x1  }
0x81: {  	v4 =	vadd.s32 v1, v4;
	_ =	sdelay $0x4  }
0x82: {  	[tilespmem:s23], [sflag:$0x1] =	stream.indirect_vreg.gather [hbm4b:s2+s3], $0x80, v4, vm0, $0xb8;
	[tilespmem:$0x10080] =	vst v63  }
0x83: {  	s14 =	simm.s32 $0x880;
	v3 =	vperm.xlane v3, v2  }
0x84: {  	[tilespmem:s14], [sflag:$0x1] =	stream.indirect_vreg.gather [hbm4b:s4+s3], $0x80, v4, vm0, $0xb8;
	[tilespmem:$0x10080] =	vst v63  }
0x85: {  	s1 =	simm.s32 $0x1080;
	v3 =	vadd.s32 v1, v3  }
0x86: {  	[tilespmem:s1], [sflag:$0x1] =	stream.indirect_vreg.gather [hbm4b:s5+s3], $0x80, v4, vm0, $0xb8;
	[tilespmem:$0x10080] =	vst v63  }
0x87: {  	s9 =	simm.s32 $0x1880  }
0x88: {  	[tilespmem:s9], [sflag:$0x1] =	stream.indirect_vreg.gather [hbm4b:s6+s3], $0x80, v4, vm0, $0xb8;
	[tilespmem:$0x10080] =	vst v63  }
0x89: {  	s10 =	simm.s32 $0x2080  }
0x8a: {  	[tilespmem:s10], [sflag:$0x1] =	stream.indirect_vreg.gather [hbm4b:s2+s3], $0x80, v3, vm0, $0xb8;
	[tilespmem:$0x10080] =	vst v63  }
0x8b: {  	s11 =	simm.s32 $0x2880  }
0x8c: {  	[tilespmem:s11], [sflag:$0x1] =	stream.indirect_vreg.gather [hbm4b:s4+s3], $0x80, v3, vm0, $0xb8;
	[tilespmem:$0x10080] =	vst v63  }
0x8d: {  	s12 =	simm.s32 $0x3080  }
0x8e: {  	[tilespmem:s12], [sflag:$0x1] =	stream.indirect_vreg.gather [hbm4b:s5+s3], $0x80, v3, vm0, $0xb8;
	[tilespmem:$0x10080] =	vst v63  }
0x8f: {  	s15 =	simm.s32 $0x3880  }
0x90: {  	[tilespmem:s15], [sflag:$0x1] =	stream.indirect_vreg.gather [hbm4b:s6+s3], $0x80, v3, vm0, $0xb8;
	[tilespmem:$0x10080] =	vst v63  }
0x91: {  	v3 =	vld [tilespmem:$0x10];
	_ =	sdelay $0x4  }
0x92: {  	v49 =	vshll.u32 v3, $0x3  }
0x93: {  	v3 =	vand.u32 $0x7, v3;
	v4 =	vand.u32 $0xFFFFFFC0, v49  }
0x94: {  	v3 =	vor.u32 v3, v4  }
0x95: {  	v4 =	vperm.xlane v3, v0;
	_ =	sdelay $0x1  }
0x96: {  	v4 =	vadd.s32 v1, v4;
	_ =	sdelay $0x3  }
0x97: {  	s16 =	simm.s32 $0x4080  }
0x98: {  	[tilespmem:s16], [sflag:$0x1] =	stream.indirect_vreg.gather [hbm4b:s2+s3], $0x80, v4, vm0, $0xb8;
	[tilespmem:$0x10080] =	vst v63  }
0x99: {  	s31 =	simm.s32 $0x4880;
	v3 =	vperm.xlane v3, v2  }
0x9a: {  	[tilespmem:s31], [sflag:$0x1] =	stream.indirect_vreg.gather [hbm4b:s4+s3], $0x80, v4, vm0, $0xb8;
	[tilespmem:$0x10080] =	vst v63  }
0x9b: {  	s13 =	simm.s32 $0x5080;
	v3 =	vadd.s32 v1, v3  }
0x9c: {  	[tilespmem:s13], [sflag:$0x1] =	stream.indirect_vreg.gather [hbm4b:s5+s3], $0x80, v4, vm0, $0xb8;
	[tilespmem:$0x10080] =	vst v63  }
0x9d: {  	s31 =	simm.s32 $0x5880  }
0x9e: {  	[tilespmem:s31], [sflag:$0x1] =	stream.indirect_vreg.gather [hbm4b:s6+s3], $0x80, v4, vm0, $0xb8;
	[tilespmem:$0x10080] =	vst v63  }
0x9f: {  	s1 =	simm.s32 $0x6080  }
0xa0: {  	[tilespmem:s1], [sflag:$0x1] =	stream.indirect_vreg.gather [hbm4b:s2+s3], $0x80, v3, vm0, $0xb8;
	[tilespmem:$0x10080] =	vst v63  }
0xa1: {  	s0 =	simm.s32 $0x6880  }
0xa2: {  	[tilespmem:s0], [sflag:$0x1] =	stream.indirect_vreg.gather [hbm4b:s4+s3], $0x80, v3, vm0, $0xb8;
	[tilespmem:$0x10080] =	vst v63  }
0xa3: {  	s9 =	simm.s32 $0x7080  }
0xa4: {  	[tilespmem:s9], [sflag:$0x1] =	stream.indirect_vreg.gather [hbm4b:s5+s3], $0x80, v3, vm0, $0xb8;
	[tilespmem:$0x10080] =	vst v63  }
0xa5: {  	s13 =	simm.s32 $0x7880  }
0xa6: {  	[tilespmem:s13], [sflag:$0x1] =	stream.indirect_vreg.gather [hbm4b:s6+s3], $0x80, v3, vm0, $0xb8;
	[tilespmem:$0x10080] =	vst v63  }
0xa7: {  	v3 =	vld [tilespmem:$0x20];
	_ =	sdelay $0x4  }
0xa8: {  	v50 =	vshll.u32 v3, $0x3  }
0xa9: {  	v3 =	vand.u32 $0x7, v3;
	v4 =	vand.u32 $0xFFFFFFC0, v50  }
0xaa: {  	v3 =	vor.u32 v3, v4  }
0xab: {  	v4 =	vperm.xlane v3, v0;
	_ =	sdelay $0x1  }
0xac: {  	v4 =	vadd.s32 v1, v4;
	_ =	sdelay $0x3  }
0xad: {  	s14 =	simm.s32 $0x8080  }
0xae: {  	[tilespmem:s14], [sflag:$0x1] =	stream.indirect_vreg.gather [hbm4b:s2+s3], $0x80, v4, vm0, $0xb8;
	[tilespmem:$0x10080] =	vst v63  }
0xaf: {  	s15 =	simm.s32 $0x8880;
	v3 =	vperm.xlane v3, v2  }
0xb0: {  	[tilespmem:s15], [sflag:$0x1] =	stream.indirect_vreg.gather [hbm4b:s4+s3], $0x80, v4, vm0, $0xb8;
	[tilespmem:$0x10080] =	vst v63  }
0xb1: {  	s10 =	simm.s32 $0x9080;
	v3 =	vadd.s32 v1, v3  }
0xb2: {  	[tilespmem:s10], [sflag:$0x1] =	stream.indirect_vreg.gather [hbm4b:s5+s3], $0x80, v4, vm0, $0xb8;
	[tilespmem:$0x10080] =	vst v63  }
0xb3: {  	s11 =	simm.s32 $0x9880  }
0xb4: {  	[tilespmem:s11], [sflag:$0x1] =	stream.indirect_vreg.gather [hbm4b:s6+s3], $0x80, v4, vm0, $0xb8;
	[tilespmem:$0x10080] =	vst v63  }
0xb5: {  	s12 =	simm.s32 $0xA080  }
0xb6: {  	[tilespmem:s12], [sflag:$0x1] =	stream.indirect_vreg.gather [hbm4b:s2+s3], $0x80, v3, vm0, $0xb8;
	[tilespmem:$0x10080] =	vst v63  }
0xb7: {  	s24 =	simm.s32 $0xA880  }
0xb8: {  	[tilespmem:s24], [sflag:$0x1] =	stream.indirect_vreg.gather [hbm4b:s4+s3], $0x80, v3, vm0, $0xb8;
	[tilespmem:$0x10080] =	vst v63  }
0xb9: {  	s28 =	simm.s32 $0xB080  }
0xba: {  	[tilespmem:s28], [sflag:$0x1] =	stream.indirect_vreg.gather [hbm4b:s5+s3], $0x80, v3, vm0, $0xb8;
	[tilespmem:$0x10080] =	vst v63  }
0xbb: {  	s20 =	simm.s32 $0xB880  }
0xbc: {  	[tilespmem:s20], [sflag:$0x1] =	stream.indirect_vreg.gather [hbm4b:s6+s3], $0x80, v3, vm0, $0xb8;
	[tilespmem:$0x10080] =	vst v63  }
0xbd: {  	v3 =	vld [tilespmem:$0x30];
	_ =	sdelay $0x4  }
0xbe: {  	v51 =	vshll.u32 v3, $0x3  }
0xbf: {  	v3 =	vand.u32 $0x7, v3;
	v4 =	vand.u32 $0xFFFFFFC0, v51  }
0xc0: {  	v3 =	vor.u32 v3, v4  }
0xc1: {  	v4 =	vperm.xlane v3, v0;
	_ =	sdelay $0x1  }
0xc2: {  	v4 =	vadd.s32 v1, v4;
	_ =	sdelay $0x3  }
0xc3: {  	s21 =	simm.s32 $0xC080  }
0xc4: {  	[tilespmem:s21], [sflag:$0x1] =	stream.indirect_vreg.gather [hbm4b:s2+s3], $0x80, v4, vm0, $0xb8;
	[tilespmem:$0x10080] =	vst v63  }
0xc5: {  	s22 =	simm.s32 $0xC880;
	v3 =	vperm.xlane v3, v2  }
0xc6: {  	[tilespmem:s22], [sflag:$0x1] =	stream.indirect_vreg.gather [hbm4b:s4+s3], $0x80, v4, vm0, $0xb8;
	[tilespmem:$0x10080] =	vst v63  }
0xc7: {  	s25 =	simm.s32 $0xD080;
	v3 =	vadd.s32 v1, v3  }
0xc8: {  	[tilespmem:s25], [sflag:$0x1] =	stream.indirect_vreg.gather [hbm4b:s5+s3], $0x80, v4, vm0, $0xb8;
	[tilespmem:$0x10080] =	vst v63  }
0xc9: {  	s26 =	simm.s32 $0xD880  }
0xca: {  	[tilespmem:s26], [sflag:$0x1] =	stream.indirect_vreg.gather [hbm4b:s6+s3], $0x80, v4, vm0, $0xb8;
	[tilespmem:$0x10080] =	vst v63  }
0xcb: {  	s22 =	simm.s32 $0xE080  }
0xcc: {  	[tilespmem:s22], [sflag:$0x1] =	stream.indirect_vreg.gather [hbm4b:s2+s3], $0x80, v3, vm0, $0xb8;
	[tilespmem:$0x10080] =	vst v63  }
0xcd: {  	s25 =	simm.s32 $0xE880  }
0xce: {  	[tilespmem:s25], [sflag:$0x1] =	stream.indirect_vreg.gather [hbm4b:s4+s3], $0x80, v3, vm0, $0xb8;
	[tilespmem:$0x10080] =	vst v63  }
0xcf: {  	s22 =	simm.s32 $0xF080  }
0xd0: {  	[tilespmem:s22], [sflag:$0x1] =	stream.indirect_vreg.gather [hbm4b:s5+s3], $0x80, v3, vm0, $0xb8;
	[tilespmem:$0x10080] =	vst v63  }
0xd1: {  	s17 =	simm.s32 $0xF880  }
0xd2: {  	[tilespmem:s17], [sflag:$0x1] =	stream.indirect_vreg.gather [hbm4b:s6+s3], $0x80, v3, vm0, $0xb8;
	[tilespmem:$0x10080] =	vst v63  }
0xd3: {  	_ =	swait.ge [sflag:s18], $0x10000  }
0xd4: {  	[sflag:s18] =	ssyncset.done $0x0  }
0xd5: {  	s19 =	rddreg [dreg:$0x7];
	[sflag:s18] =	ssyncadd.s32 $0xFFFF0000  }
0xd6: {  	[hbm4b:s19+s3] =	stream.linear.scatter [tilespmem:s23], [sflag:$0x2], $0x10000, $0x38;
	[tilespmem:$0x10080] =	vst v63  }
0xd7: {  	_ =	swait.ge [sflag:s8], $0x10000  }
0xd8: {  	[sflag:s8] =	ssyncset.done $0x0  }
0xd9: {  	s19 =	rddreg [dreg:$0x8];
	[sflag:s8] =	ssyncadd.s32 $0xFFFF0000  }
0xda: {  	[tilespmem:s3], [sflag:$0x2] =	stream.linear.gather [hbm4b:s19+s3], $0x40, $0x38;
	[tilespmem:$0x10080] =	vst v63  }
0xdb: {  	_ =	swait.ge [sflag:s8], $0x40  }
0xdc: {  	[sflag:s8] =	ssyncset.done $0x0  }
0xdd: {  	[sflag:s8] =	ssyncadd.s32 $0xFFFFFFC0  }
0xde: {  	v3 =	vld [tilespmem:$0x0];
	_ =	sdelay $0x4  }
0xdf: {  	v52 =	vshll.u32 v3, $0x3  }
0xe0: {  	v3 =	vand.u32 $0x7, v3;
	v4 =	vand.u32 $0xFFFFFFC0, v52  }
0xe1: {  	v3 =	vor.u32 v3, v4  }
0xe2: {  	v4 =	vperm.xlane v3, v0;
	_ =	sdelay $0x1  }
0xe3: {  	v4 =	vadd.s32 v1, v4;
	_ =	sdelay $0x4  }
0xe4: {  	[tilespmem:s23], [sflag:$0x1] =	stream.indirect_vreg.gather [hbm4b:s2+s3], $0x80, v4, vm0, $0xb8;
	[tilespmem:$0x10080] =	vst v63  }
0xe5: {  	s19 =	simm.s32 $0x880;
	v3 =	vperm.xlane v3, v2  }
0xe6: {  	[tilespmem:s19], [sflag:$0x1] =	stream.indirect_vreg.gather [hbm4b:s4+s3], $0x80, v4, vm0, $0xb8;
	[tilespmem:$0x10080] =	vst v63  }
0xe7: {  	s29 =	simm.s32 $0x1080;
	v3 =	vadd.s32 v1, v3  }
0xe8: {  	[tilespmem:s29], [sflag:$0x1] =	stream.indirect_vreg.gather [hbm4b:s5+s3], $0x80, v4, vm0, $0xb8;
	[tilespmem:$0x10080] =	vst v63  }
0xe9: {  	s30 =	simm.s32 $0x1880  }
0xea: {  	[tilespmem:s30], [sflag:$0x1] =	stream.indirect_vreg.gather [hbm4b:s6+s3], $0x80, v4, vm0, $0xb8;
	[tilespmem:$0x10080] =	vst v63  }
0xeb: {  	s29 =	simm.s32 $0x2080  }
0xec: {  	[tilespmem:s29], [sflag:$0x1] =	stream.indirect_vreg.gather [hbm4b:s2+s3], $0x80, v3, vm0, $0xb8;
	[tilespmem:$0x10080] =	vst v63  }
0xed: {  	s30 =	simm.s32 $0x2880  }
0xee: {  	[tilespmem:s30], [sflag:$0x1] =	stream.indirect_vreg.gather [hbm4b:s4+s3], $0x80, v3, vm0, $0xb8;
	[tilespmem:$0x10080] =	vst v63  }
0xef: {  	s29 =	simm.s32 $0x3080  }
0xf0: {  	[tilespmem:s29], [sflag:$0x1] =	stream.indirect_vreg.gather [hbm4b:s5+s3], $0x80, v3, vm0, $0xb8;
	[tilespmem:$0x10080] =	vst v63  }
0xf1: {  	s30 =	simm.s32 $0x3880  }
0xf2: {  	[tilespmem:s30], [sflag:$0x1] =	stream.indirect_vreg.gather [hbm4b:s6+s3], $0x80, v3, vm0, $0xb8;
	[tilespmem:$0x10080] =	vst v63  }
0xf3: {  	v3 =	vld [tilespmem:$0x10];
	_ =	sdelay $0x4  }
0xf4: {  	v53 =	vshll.u32 v3, $0x3  }
0xf5: {  	v3 =	vand.u32 $0x7, v3;
	v4 =	vand.u32 $0xFFFFFFC0, v53  }
0xf6: {  	v3 =	vor.u32 v3, v4  }
0xf7: {  	v4 =	vperm.xlane v3, v0;
	_ =	sdelay $0x1  }
0xf8: {  	v4 =	vadd.s32 v1, v4;
	_ =	sdelay $0x4  }
0xf9: {  	[tilespmem:s16], [sflag:$0x1] =	stream.indirect_vreg.gather [hbm4b:s2+s3], $0x80, v4, vm0, $0xb8;
	[tilespmem:$0x10080] =	vst v63  }
0xfa: {  	s29 =	simm.s32 $0x4880;
	v3 =	vperm.xlane v3, v2  }
0xfb: {  	[tilespmem:s29], [sflag:$0x1] =	stream.indirect_vreg.gather [hbm4b:s4+s3], $0x80, v4, vm0, $0xb8;
	[tilespmem:$0x10080] =	vst v63  }
0xfc: {  	s30 =	simm.s32 $0x5080;
	v3 =	vadd.s32 v1, v3  }
0xfd: {  	[tilespmem:s30], [sflag:$0x1] =	stream.indirect_vreg.gather [hbm4b:s5+s3], $0x80, v4, vm0, $0xb8;
	[tilespmem:$0x10080] =	vst v63  }
0xfe: {  	_ = 	snop  }
0xff: {  	[tilespmem:s31], [sflag:$0x1] =	stream.indirect_vreg.gather [hbm4b:s6+s3], $0x80, v4, vm0, $0xb8;
	[tilespmem:$0x10080] =	vst v63  }
0x100: {  	_ = 	snop  }
0x101: {  	[tilespmem:s1], [sflag:$0x1] =	stream.indirect_vreg.gather [hbm4b:s2+s3], $0x80, v3, vm0, $0xb8;
	[tilespmem:$0x10080] =	vst v63  }
0x102: {  	_ = 	snop  }
0x103: {  	[tilespmem:s0], [sflag:$0x1] =	stream.indirect_vreg.gather [hbm4b:s4+s3], $0x80, v3, vm0, $0xb8;
	[tilespmem:$0x10080] =	vst v63  }
0x104: {  	_ = 	snop  }
0x105: {  	[tilespmem:s9], [sflag:$0x1] =	stream.indirect_vreg.gather [hbm4b:s5+s3], $0x80, v3, vm0, $0xb8;
	[tilespmem:$0x10080] =	vst v63  }
0x106: {  	_ = 	snop  }
0x107: {  	[tilespmem:s13], [sflag:$0x1] =	stream.indirect_vreg.gather [hbm4b:s6+s3], $0x80, v3, vm0, $0xb8;
	[tilespmem:$0x10080] =	vst v63  }
0x108: {  	v3 =	vld [tilespmem:$0x20];
	_ =	sdelay $0x4  }
0x109: {  	v54 =	vshll.u32 v3, $0x3  }
0x10a: {  	v3 =	vand.u32 $0x7, v3;
	v4 =	vand.u32 $0xFFFFFFC0, v54  }
0x10b: {  	v3 =	vor.u32 v3, v4  }
0x10c: {  	v4 =	vperm.xlane v3, v0;
	_ =	sdelay $0x1  }
0x10d: {  	v4 =	vadd.s32 v1, v4;
	_ =	sdelay $0x4  }
0x10e: {  	[tilespmem:s14], [sflag:$0x1] =	stream.indirect_vreg.gather [hbm4b:s2+s3], $0x80, v4, vm0, $0xb8;
	[tilespmem:$0x10080] =	vst v63  }
0x10f: {  	v3 =	vperm.xlane v3, v2  }
0x110: {  	[tilespmem:s15], [sflag:$0x1] =	stream.indirect_vreg.gather [hbm4b:s4+s3], $0x80, v4, vm0, $0xb8;
	[tilespmem:$0x10080] =	vst v63  }
0x111: {  	v3 =	vadd.s32 v1, v3  }
0x112: {  	[tilespmem:s10], [sflag:$0x1] =	stream.indirect_vreg.gather [hbm4b:s5+s3], $0x80, v4, vm0, $0xb8;
	[tilespmem:$0x10080] =	vst v63  }
0x113: {  	_ = 	snop  }
0x114: {  	[tilespmem:s11], [sflag:$0x1] =	stream.indirect_vreg.gather [hbm4b:s6+s3], $0x80, v4, vm0, $0xb8;
	[tilespmem:$0x10080] =	vst v63  }
0x115: {  	_ = 	snop  }
0x116: {  	[tilespmem:s12], [sflag:$0x1] =	stream.indirect_vreg.gather [hbm4b:s2+s3], $0x80, v3, vm0, $0xb8;
	[tilespmem:$0x10080] =	vst v63  }
0x117: {  	s24 =	simm.s32 $0xA880  }
0x118: {  	[tilespmem:s24], [sflag:$0x1] =	stream.indirect_vreg.gather [hbm4b:s4+s3], $0x80, v3, vm0, $0xb8;
	[tilespmem:$0x10080] =	vst v63  }
0x119: {  	s28 =	simm.s32 $0xB080  }
0x11a: {  	[tilespmem:s28], [sflag:$0x1] =	stream.indirect_vreg.gather [hbm4b:s5+s3], $0x80, v3, vm0, $0xb8;
	[tilespmem:$0x10080] =	vst v63  }
0x11b: {  	s13 =	simm.s32 $0xB880  }
0x11c: {  	[tilespmem:s13], [sflag:$0x1] =	stream.indirect_vreg.gather [hbm4b:s6+s3], $0x80, v3, vm0, $0xb8;
	[tilespmem:$0x10080] =	vst v63  }
0x11d: {  	v3 =	vld [tilespmem:$0x30];
	_ =	sdelay $0x4  }
0x11e: {  	v55 =	vshll.u32 v3, $0x3  }
0x11f: {  	v3 =	vand.u32 $0x7, v3;
	v4 =	vand.u32 $0xFFFFFFC0, v55  }
0x120: {  	v3 =	vor.u32 v3, v4  }
0x121: {  	v4 =	vperm.xlane v3, v0;
	_ =	sdelay $0x1  }
0x122: {  	v4 =	vadd.s32 v1, v4;
	_ =	sdelay $0x3  }
0x123: {  	s19 =	simm.s32 $0xC080  }
0x124: {  	[tilespmem:s19], [sflag:$0x1] =	stream.indirect_vreg.gather [hbm4b:s2+s3], $0x80, v4, vm0, $0xb8;
	[tilespmem:$0x10080] =	vst v63  }
0x125: {  	s28 =	simm.s32 $0xC880;
	v3 =	vperm.xlane v3, v2  }
0x126: {  	[tilespmem:s28], [sflag:$0x1] =	stream.indirect_vreg.gather [hbm4b:s4+s3], $0x80, v4, vm0, $0xb8;
	[tilespmem:$0x10080] =	vst v63  }
0x127: {  	s20 =	simm.s32 $0xD080;
	v3 =	vadd.s32 v1, v3  }
0x128: {  	[tilespmem:s20], [sflag:$0x1] =	stream.indirect_vreg.gather [hbm4b:s5+s3], $0x80, v4, vm0, $0xb8;
	[tilespmem:$0x10080] =	vst v63  }
0x129: {  	s21 =	simm.s32 $0xD880  }
0x12a: {  	[tilespmem:s21], [sflag:$0x1] =	stream.indirect_vreg.gather [hbm4b:s6+s3], $0x80, v4, vm0, $0xb8;
	[tilespmem:$0x10080] =	vst v63  }
0x12b: {  	s26 =	simm.s32 $0xE080  }
0x12c: {  	[tilespmem:s26], [sflag:$0x1] =	stream.indirect_vreg.gather [hbm4b:s2+s3], $0x80, v3, vm0, $0xb8;
	[tilespmem:$0x10080] =	vst v63  }
0x12d: {  	s25 =	simm.s32 $0xE880  }
0x12e: {  	[tilespmem:s25], [sflag:$0x1] =	stream.indirect_vreg.gather [hbm4b:s4+s3], $0x80, v3, vm0, $0xb8;
	[tilespmem:$0x10080] =	vst v63  }
0x12f: {  	s22 =	simm.s32 $0xF080  }
0x130: {  	[tilespmem:s22], [sflag:$0x1] =	stream.indirect_vreg.gather [hbm4b:s5+s3], $0x80, v3, vm0, $0xb8;
	[tilespmem:$0x10080] =	vst v63  }
0x131: {  	s17 =	simm.s32 $0xF880  }
0x132: {  	[tilespmem:s17], [sflag:$0x1] =	stream.indirect_vreg.gather [hbm4b:s6+s3], $0x80, v3, vm0, $0xb8;
	[tilespmem:$0x10080] =	vst v63  }
0x133: {  	_ =	swait.ge [sflag:s18], $0x10000  }
0x134: {  	[sflag:s18] =	ssyncset.done $0x0  }
0x135: {  	s12 =	rddreg [dreg:$0x9];
	[sflag:s18] =	ssyncadd.s32 $0xFFFF0000  }
0x136: {  	[hbm4b:s12+s3] =	stream.linear.scatter [tilespmem:s23], [sflag:$0x2], $0x10000, $0x38;
	[tilespmem:$0x10080] =	vst v63  }
0x137: {  	_ =	swait.ge [sflag:s8], $0x10000  }
0x138: {  	[sflag:s8] =	ssyncset.done $0x0  }
0x139: {  	s17 =	rddreg [dreg:$0xa];
	[sflag:s8] =	ssyncadd.s32 $0xFFFF0000  }
0x13a: {  	[tilespmem:s3], [sflag:$0x2] =	stream.linear.gather [hbm4b:s17+s3], $0x40, $0x38;
	[tilespmem:$0x10080] =	vst v63  }
0x13b: {  	_ =	swait.ge [sflag:s8], $0x40  }
0x13c: {  	[sflag:s8] =	ssyncset.done $0x0  }
0x13d: {  	[sflag:s8] =	ssyncadd.s32 $0xFFFFFFC0  }
0x13e: {  	v3 =	vld [tilespmem:$0x0];
	_ =	sdelay $0x4  }
0x13f: {  	v56 =	vshll.u32 v3, $0x3  }
0x140: {  	v3 =	vand.u32 $0x7, v3;
	v4 =	vand.u32 $0xFFFFFFC0, v56  }
0x141: {  	v3 =	vor.u32 v3, v4  }
0x142: {  	v4 =	vperm.xlane v3, v0;
	_ =	sdelay $0x1  }
0x143: {  	v4 =	vadd.s32 v1, v4;
	_ =	sdelay $0x4  }
0x144: {  	[tilespmem:s23], [sflag:$0x1] =	stream.indirect_vreg.gather [hbm4b:s2+s3], $0x80, v4, vm0, $0xb8;
	[tilespmem:$0x10080] =	vst v63  }
0x145: {  	s22 =	simm.s32 $0x880;
	v3 =	vperm.xlane v3, v2  }
0x146: {  	[tilespmem:s22], [sflag:$0x1] =	stream.indirect_vreg.gather [hbm4b:s4+s3], $0x80, v4, vm0, $0xb8;
	[tilespmem:$0x10080] =	vst v63  }
0x147: {  	s25 =	simm.s32 $0x1080;
	v3 =	vadd.s32 v1, v3  }
0x148: {  	[tilespmem:s25], [sflag:$0x1] =	stream.indirect_vreg.gather [hbm4b:s5+s3], $0x80, v4, vm0, $0xb8;
	[tilespmem:$0x10080] =	vst v63  }
0x149: {  	s26 =	simm.s32 $0x1880  }
0x14a: {  	[tilespmem:s26], [sflag:$0x1] =	stream.indirect_vreg.gather [hbm4b:s6+s3], $0x80, v4, vm0, $0xb8;
	[tilespmem:$0x10080] =	vst v63  }
0x14b: {  	s17 =	simm.s32 $0x2080  }
0x14c: {  	[tilespmem:s17], [sflag:$0x1] =	stream.indirect_vreg.gather [hbm4b:s2+s3], $0x80, v3, vm0, $0xb8;
	[tilespmem:$0x10080] =	vst v63  }
0x14d: {  	s19 =	simm.s32 $0x2880  }
0x14e: {  	[tilespmem:s19], [sflag:$0x1] =	stream.indirect_vreg.gather [hbm4b:s4+s3], $0x80, v3, vm0, $0xb8;
	[tilespmem:$0x10080] =	vst v63  }
0x14f: {  	s25 =	simm.s32 $0x3080  }
0x150: {  	[tilespmem:s25], [sflag:$0x1] =	stream.indirect_vreg.gather [hbm4b:s5+s3], $0x80, v3, vm0, $0xb8;
	[tilespmem:$0x10080] =	vst v63  }
0x151: {  	s26 =	simm.s32 $0x3880  }
0x152: {  	[tilespmem:s26], [sflag:$0x1] =	stream.indirect_vreg.gather [hbm4b:s6+s3], $0x80, v3, vm0, $0xb8;
	[tilespmem:$0x10080] =	vst v63  }
0x153: {  	v3 =	vld [tilespmem:$0x10];
	_ =	sdelay $0x4  }
0x154: {  	v57 =	vshll.u32 v3, $0x3  }
0x155: {  	v3 =	vand.u32 $0x7, v3;
	v4 =	vand.u32 $0xFFFFFFC0, v57  }
0x156: {  	v3 =	vor.u32 v3, v4  }
0x157: {  	v4 =	vperm.xlane v3, v0;
	_ =	sdelay $0x1  }
0x158: {  	v4 =	vadd.s32 v1, v4;
	_ =	sdelay $0x3  }
0x159: {  	s16 =	simm.s32 $0x4080  }
0x15a: {  	[tilespmem:s16], [sflag:$0x1] =	stream.indirect_vreg.gather [hbm4b:s2+s3], $0x80, v4, vm0, $0xb8;
	[tilespmem:$0x10080] =	vst v63  }
0x15b: {  	v3 =	vperm.xlane v3, v2;
	s16 =	simm.s32 $0x4880  }
0x15c: {  	[tilespmem:s16], [sflag:$0x1] =	stream.indirect_vreg.gather [hbm4b:s4+s3], $0x80, v4, vm0, $0xb8;
	[tilespmem:$0x10080] =	vst v63  }
0x15d: {  	s17 =	simm.s32 $0x5080;
	v3 =	vadd.s32 v1, v3  }
0x15e: {  	[tilespmem:s17], [sflag:$0x1] =	stream.indirect_vreg.gather [hbm4b:s5+s3], $0x80, v4, vm0, $0xb8;
	[tilespmem:$0x10080] =	vst v63  }
0x15f: {  	s29 =	simm.s32 $0x5880  }
0x160: {  	[tilespmem:s29], [sflag:$0x1] =	stream.indirect_vreg.gather [hbm4b:s6+s3], $0x80, v4, vm0, $0xb8;
	[tilespmem:$0x10080] =	vst v63  }
0x161: {  	s31 =	simm.s32 $0x6080  }
0x162: {  	[tilespmem:s31], [sflag:$0x1] =	stream.indirect_vreg.gather [hbm4b:s2+s3], $0x80, v3, vm0, $0xb8;
	[tilespmem:$0x10080] =	vst v63  }
0x163: {  	s30 =	simm.s32 $0x6880  }
0x164: {  	[tilespmem:s30], [sflag:$0x1] =	stream.indirect_vreg.gather [hbm4b:s4+s3], $0x80, v3, vm0, $0xb8;
	[tilespmem:$0x10080] =	vst v63  }
0x165: {  	s1 =	simm.s32 $0x7080  }
0x166: {  	[tilespmem:s1], [sflag:$0x1] =	stream.indirect_vreg.gather [hbm4b:s5+s3], $0x80, v3, vm0, $0xb8;
	[tilespmem:$0x10080] =	vst v63  }
0x167: {  	s0 =	simm.s32 $0x7880  }
0x168: {  	[tilespmem:s0], [sflag:$0x1] =	stream.indirect_vreg.gather [hbm4b:s6+s3], $0x80, v3, vm0, $0xb8;
	[tilespmem:$0x10080] =	vst v63  }
0x169: {  	v3 =	vld [tilespmem:$0x20];
	_ =	sdelay $0x4  }
0x16a: {  	v58 =	vshll.u32 v3, $0x3  }
0x16b: {  	v3 =	vand.u32 $0x7, v3;
	v4 =	vand.u32 $0xFFFFFFC0, v58  }
0x16c: {  	v3 =	vor.u32 v3, v4  }
0x16d: {  	v4 =	vperm.xlane v3, v0;
	_ =	sdelay $0x1  }
0x16e: {  	v4 =	vadd.s32 v1, v4;
	_ =	sdelay $0x3  }
0x16f: {  	s14 =	simm.s32 $0x8080  }
0x170: {  	[tilespmem:s14], [sflag:$0x1] =	stream.indirect_vreg.gather [hbm4b:s2+s3], $0x80, v4, vm0, $0xb8;
	[tilespmem:$0x10080] =	vst v63  }
0x171: {  	s15 =	simm.s32 $0x8880;
	v3 =	vperm.xlane v3, v2  }
0x172: {  	[tilespmem:s15], [sflag:$0x1] =	stream.indirect_vreg.gather [hbm4b:s4+s3], $0x80, v4, vm0, $0xb8;
	[tilespmem:$0x10080] =	vst v63  }
0x173: {  	s9 =	simm.s32 $0x9080;
	v3 =	vadd.s32 v1, v3  }
0x174: {  	[tilespmem:s9], [sflag:$0x1] =	stream.indirect_vreg.gather [hbm4b:s5+s3], $0x80, v4, vm0, $0xb8;
	[tilespmem:$0x10080] =	vst v63  }
0x175: {  	s10 =	simm.s32 $0x9880  }
0x176: {  	[tilespmem:s10], [sflag:$0x1] =	stream.indirect_vreg.gather [hbm4b:s6+s3], $0x80, v4, vm0, $0xb8;
	[tilespmem:$0x10080] =	vst v63  }
0x177: {  	s11 =	simm.s32 $0xA080  }
0x178: {  	[tilespmem:s11], [sflag:$0x1] =	stream.indirect_vreg.gather [hbm4b:s2+s3], $0x80, v3, vm0, $0xb8;
	[tilespmem:$0x10080] =	vst v63  }
0x179: {  	s24 =	simm.s32 $0xA880  }
0x17a: {  	[tilespmem:s24], [sflag:$0x1] =	stream.indirect_vreg.gather [hbm4b:s4+s3], $0x80, v3, vm0, $0xb8;
	[tilespmem:$0x10080] =	vst v63  }
0x17b: {  	s19 =	simm.s32 $0xB080  }
0x17c: {  	[tilespmem:s19], [sflag:$0x1] =	stream.indirect_vreg.gather [hbm4b:s5+s3], $0x80, v3, vm0, $0xb8;
	[tilespmem:$0x10080] =	vst v63  }
0x17d: {  	s24 =	simm.s32 $0xB880  }
0x17e: {  	[tilespmem:s24], [sflag:$0x1] =	stream.indirect_vreg.gather [hbm4b:s6+s3], $0x80, v3, vm0, $0xb8;
	[tilespmem:$0x10080] =	vst v63  }
0x17f: {  	v3 =	vld [tilespmem:$0x30];
	_ =	sdelay $0x4  }
0x180: {  	v59 =	vshll.u32 v3, $0x3  }
0x181: {  	v3 =	vand.u32 $0x7, v3;
	v4 =	vand.u32 $0xFFFFFFC0, v59  }
0x182: {  	v3 =	vor.u32 v3, v4  }
0x183: {  	v4 =	vperm.xlane v3, v0;
	_ =	sdelay $0x1  }
0x184: {  	v4 =	vadd.s32 v1, v4;
	_ =	sdelay $0x3  }
0x185: {  	s11 =	simm.s32 $0xC080  }
0x186: {  	[tilespmem:s11], [sflag:$0x1] =	stream.indirect_vreg.gather [hbm4b:s2+s3], $0x80, v4, vm0, $0xb8;
	[tilespmem:$0x10080] =	vst v63  }
0x187: {  	s19 =	simm.s32 $0xC880;
	v3 =	vperm.xlane v3, v2  }
0x188: {  	[tilespmem:s19], [sflag:$0x1] =	stream.indirect_vreg.gather [hbm4b:s4+s3], $0x80, v4, vm0, $0xb8;
	[tilespmem:$0x10080] =	vst v63  }
0x189: {  	s13 =	simm.s32 $0xD080;
	v3 =	vadd.s32 v1, v3  }
0x18a: {  	[tilespmem:s13], [sflag:$0x1] =	stream.indirect_vreg.gather [hbm4b:s5+s3], $0x80, v4, vm0, $0xb8;
	[tilespmem:$0x10080] =	vst v63  }
0x18b: {  	s20 =	simm.s32 $0xD880  }
0x18c: {  	[tilespmem:s20], [sflag:$0x1] =	stream.indirect_vreg.gather [hbm4b:s6+s3], $0x80, v4, vm0, $0xb8;
	[tilespmem:$0x10080] =	vst v63  }
0x18d: {  	s20 =	simm.s32 $0xE080  }
0x18e: {  	[tilespmem:s20], [sflag:$0x1] =	stream.indirect_vreg.gather [hbm4b:s2+s3], $0x80, v3, vm0, $0xb8;
	[tilespmem:$0x10080] =	vst v63  }
0x18f: {  	s28 =	simm.s32 $0xE880  }
0x190: {  	[tilespmem:s28], [sflag:$0x1] =	stream.indirect_vreg.gather [hbm4b:s4+s3], $0x80, v3, vm0, $0xb8;
	[tilespmem:$0x10080] =	vst v63  }
0x191: {  	s21 =	simm.s32 $0xF080  }
0x192: {  	[tilespmem:s21], [sflag:$0x1] =	stream.indirect_vreg.gather [hbm4b:s5+s3], $0x80, v3, vm0, $0xb8;
	[tilespmem:$0x10080] =	vst v63  }
0x193: {  	s21 =	simm.s32 $0xF880  }
0x194: {  	[tilespmem:s21], [sflag:$0x1] =	stream.indirect_vreg.gather [hbm4b:s6+s3], $0x80, v3, vm0, $0xb8;
	[tilespmem:$0x10080] =	vst v63  }
0x195: {  	_ =	swait.ge [sflag:s18], $0x10000  }
0x196: {  	[sflag:s18] =	ssyncset.done $0x0  }
0x197: {  	s28 =	rddreg [dreg:$0xb];
	[sflag:s18] =	ssyncadd.s32 $0xFFFF0000  }
0x198: {  	[hbm4b:s28+s3] =	stream.linear.scatter [tilespmem:s23], [sflag:$0x2], $0x10000, $0x38;
	[tilespmem:$0x10080] =	vst v63  }
0x199: {  	_ =	swait.ge [sflag:s8], $0x10000  }
0x19a: {  	[sflag:s8] =	ssyncset.done $0x0  }
0x19b: {  	s28 =	rddreg [dreg:$0xc];
	[sflag:s8] =	ssyncadd.s32 $0xFFFF0000  }
0x19c: {  	[tilespmem:s3], [sflag:$0x2] =	stream.linear.gather [hbm4b:s28+s3], $0x40, $0x38;
	[tilespmem:$0x10080] =	vst v63  }
0x19d: {  	_ =	swait.ge [sflag:s8], $0x40  }
0x19e: {  	[sflag:s8] =	ssyncset.done $0x0  }
0x19f: {  	[sflag:s8] =	ssyncadd.s32 $0xFFFFFFC0  }
0x1a0: {  	v3 =	vld [tilespmem:$0x0];
	_ =	sdelay $0x4  }
0x1a1: {  	v60 =	vshll.u32 v3, $0x3  }
0x1a2: {  	v3 =	vand.u32 $0x7, v3;
	v4 =	vand.u32 $0xFFFFFFC0, v60  }
0x1a3: {  	v3 =	vor.u32 v3, v4  }
0x1a4: {  	v4 =	vperm.xlane v3, v0;
	_ =	sdelay $0x1  }
0x1a5: {  	v4 =	vadd.s32 v1, v4;
	_ =	sdelay $0x4  }
0x1a6: {  	[tilespmem:s23], [sflag:$0x1] =	stream.indirect_vreg.gather [hbm4b:s2+s3], $0x80, v4, vm0, $0xb8;
	[tilespmem:$0x10080] =	vst v63  }
0x1a7: {  	s28 =	simm.s32 $0x880;
	v3 =	vperm.xlane v3, v2  }
0x1a8: {  	[tilespmem:s28], [sflag:$0x1] =	stream.indirect_vreg.gather [hbm4b:s4+s3], $0x80, v4, vm0, $0xb8;
	[tilespmem:$0x10080] =	vst v63  }
0x1a9: {  	s22 =	simm.s32 $0x1080;
	v3 =	vadd.s32 v1, v3  }
0x1aa: {  	[tilespmem:s22], [sflag:$0x1] =	stream.indirect_vreg.gather [hbm4b:s5+s3], $0x80, v4, vm0, $0xb8;
	[tilespmem:$0x10080] =	vst v63  }
0x1ab: {  	s28 =	simm.s32 $0x1880  }
0x1ac: {  	[tilespmem:s28], [sflag:$0x1] =	stream.indirect_vreg.gather [hbm4b:s6+s3], $0x80, v4, vm0, $0xb8;
	[tilespmem:$0x10080] =	vst v63  }
0x1ad: {  	s22 =	simm.s32 $0x2080  }
0x1ae: {  	[tilespmem:s22], [sflag:$0x1] =	stream.indirect_vreg.gather [hbm4b:s2+s3], $0x80, v3, vm0, $0xb8;
	[tilespmem:$0x10080] =	vst v63  }
0x1af: {  	s28 =	simm.s32 $0x2880  }
0x1b0: {  	[tilespmem:s28], [sflag:$0x1] =	stream.indirect_vreg.gather [hbm4b:s4+s3], $0x80, v3, vm0, $0xb8;
	[tilespmem:$0x10080] =	vst v63  }
0x1b1: {  	s22 =	simm.s32 $0x3080  }
0x1b2: {  	[tilespmem:s22], [sflag:$0x1] =	stream.indirect_vreg.gather [hbm4b:s5+s3], $0x80, v3, vm0, $0xb8;
	[tilespmem:$0x10080] =	vst v63  }
0x1b3: {  	s28 =	simm.s32 $0x3880  }
0x1b4: {  	[tilespmem:s28], [sflag:$0x1] =	stream.indirect_vreg.gather [hbm4b:s6+s3], $0x80, v3, vm0, $0xb8;
	[tilespmem:$0x10080] =	vst v63  }
0x1b5: {  	v3 =	vld [tilespmem:$0x10];
	_ =	sdelay $0x4  }
0x1b6: {  	v61 =	vshll.u32 v3, $0x3  }
0x1b7: {  	v3 =	vand.u32 $0x7, v3;
	v4 =	vand.u32 $0xFFFFFFC0, v61  }
0x1b8: {  	v3 =	vor.u32 v3, v4  }
0x1b9: {  	v4 =	vperm.xlane v3, v0;
	_ =	sdelay $0x1  }
0x1ba: {  	v4 =	vadd.s32 v1, v4;
	_ =	sdelay $0x3  }
0x1bb: {  	s26 =	simm.s32 $0x4080  }
0x1bc: {  	[tilespmem:s26], [sflag:$0x1] =	stream.indirect_vreg.gather [hbm4b:s2+s3], $0x80, v4, vm0, $0xb8;
	[tilespmem:$0x10080] =	vst v63  }
0x1bd: {  	s22 =	simm.s32 $0x4880;
	v3 =	vperm.xlane v3, v2  }
0x1be: {  	[tilespmem:s22], [sflag:$0x1] =	stream.indirect_vreg.gather [hbm4b:s4+s3], $0x80, v4, vm0, $0xb8;
	[tilespmem:$0x10080] =	vst v63  }
0x1bf: {  	v3 =	vadd.s32 v1, v3;
	s26 =	simm.s32 $0x5080  }
0x1c0: {  	[tilespmem:s26], [sflag:$0x1] =	stream.indirect_vreg.gather [hbm4b:s5+s3], $0x80, v4, vm0, $0xb8;
	[tilespmem:$0x10080] =	vst v63  }
0x1c1: {  	s16 =	simm.s32 $0x5880  }
0x1c2: {  	[tilespmem:s16], [sflag:$0x1] =	stream.indirect_vreg.gather [hbm4b:s6+s3], $0x80, v4, vm0, $0xb8;
	[tilespmem:$0x10080] =	vst v63  }
0x1c3: {  	s12 =	simm.s32 $0x6080  }
0x1c4: {  	[tilespmem:s12], [sflag:$0x1] =	stream.indirect_vreg.gather [hbm4b:s2+s3], $0x80, v3, vm0, $0xb8;
	[tilespmem:$0x10080] =	vst v63  }
0x1c5: {  	s29 =	simm.s32 $0x6880  }
0x1c6: {  	[tilespmem:s29], [sflag:$0x1] =	stream.indirect_vreg.gather [hbm4b:s4+s3], $0x80, v3, vm0, $0xb8;
	[tilespmem:$0x10080] =	vst v63  }
0x1c7: {  	s25 =	simm.s32 $0x7080  }
0x1c8: {  	[tilespmem:s25], [sflag:$0x1] =	stream.indirect_vreg.gather [hbm4b:s5+s3], $0x80, v3, vm0, $0xb8;
	[tilespmem:$0x10080] =	vst v63  }
0x1c9: {  	s17 =	simm.s32 $0x7880  }
0x1ca: {  	[tilespmem:s17], [sflag:$0x1] =	stream.indirect_vreg.gather [hbm4b:s6+s3], $0x80, v3, vm0, $0xb8;
	[tilespmem:$0x10080] =	vst v63  }
0x1cb: {  	v3 =	vld [tilespmem:$0x20];
	_ =	sdelay $0x4  }
0x1cc: {  	v62 =	vshll.u32 v3, $0x3  }
0x1cd: {  	v3 =	vand.u32 $0x7, v3;
	v4 =	vand.u32 $0xFFFFFFC0, v62  }
0x1ce: {  	v3 =	vor.u32 v3, v4  }
0x1cf: {  	v4 =	vperm.xlane v3, v0;
	_ =	sdelay $0x1  }
0x1d0: {  	v4 =	vadd.s32 v1, v4;
	_ =	sdelay $0x3  }
0x1d1: {  	s30 =	simm.s32 $0x8080  }
0x1d2: {  	[tilespmem:s30], [sflag:$0x1] =	stream.indirect_vreg.gather [hbm4b:s2+s3], $0x80, v4, vm0, $0xb8;
	[tilespmem:$0x10080] =	vst v63  }
0x1d3: {  	s14 =	simm.s32 $0x8880;
	v3 =	vperm.xlane v3, v2  }
0x1d4: {  	[tilespmem:s14], [sflag:$0x1] =	stream.indirect_vreg.gather [hbm4b:s4+s3], $0x80, v4, vm0, $0xb8;
	[tilespmem:$0x10080] =	vst v63  }
0x1d5: {  	s0 =	simm.s32 $0x9080;
	v3 =	vadd.s32 v1, v3  }
0x1d6: {  	[tilespmem:s0], [sflag:$0x1] =	stream.indirect_vreg.gather [hbm4b:s5+s3], $0x80, v4, vm0, $0xb8;
	[tilespmem:$0x10080] =	vst v63  }
0x1d7: {  	s1 =	simm.s32 $0x9880  }
0x1d8: {  	[tilespmem:s1], [sflag:$0x1] =	stream.indirect_vreg.gather [hbm4b:s6+s3], $0x80, v4, vm0, $0xb8;
	[tilespmem:$0x10080] =	vst v63  }
0x1d9: {  	s9 =	simm.s32 $0xA080  }
0x1da: {  	[tilespmem:s9], [sflag:$0x1] =	stream.indirect_vreg.gather [hbm4b:s2+s3], $0x80, v3, vm0, $0xb8;
	[tilespmem:$0x10080] =	vst v63  }
0x1db: {  	s15 =	simm.s32 $0xA880  }
0x1dc: {  	[tilespmem:s15], [sflag:$0x1] =	stream.indirect_vreg.gather [hbm4b:s4+s3], $0x80, v3, vm0, $0xb8;
	[tilespmem:$0x10080] =	vst v63  }
0x1dd: {  	s31 =	simm.s32 $0xB080  }
0x1de: {  	[tilespmem:s31], [sflag:$0x1] =	stream.indirect_vreg.gather [hbm4b:s5+s3], $0x80, v3, vm0, $0xb8;
	[tilespmem:$0x10080] =	vst v63  }
0x1df: {  	s28 =	simm.s32 $0xB880  }
0x1e0: {  	[tilespmem:s28], [sflag:$0x1] =	stream.indirect_vreg.gather [hbm4b:s6+s3], $0x80, v3, vm0, $0xb8;
	[tilespmem:$0x10080] =	vst v63  }
0x1e1: {  	v3 =	vld [tilespmem:$0x30];
	_ =	sdelay $0x4  }
0x1e2: {  	v63 =	vshll.u32 v3, $0x3  }
0x1e3: {  	v3 =	vand.u32 $0x7, v3;
	v4 =	vand.u32 $0xFFFFFFC0, v63  }
0x1e4: {  	v3 =	vor.u32 v3, v4  }
0x1e5: {  	v4 =	vperm.xlane v3, v0;
	_ =	sdelay $0x1  }
0x1e6: {  	v4 =	vadd.s32 v1, v4;
	_ =	sdelay $0x3  }
0x1e7: {  	s29 =	simm.s32 $0xC080  }
0x1e8: {  	[tilespmem:s29], [sflag:$0x1] =	stream.indirect_vreg.gather [hbm4b:s2+s3], $0x80, v4, vm0, $0xb8;
	[tilespmem:$0x10080] =	vst v63  }
0x1e9: {  	s30 =	simm.s32 $0xC880;
	v3 =	vperm.xlane v3, v2  }
0x1ea: {  	[tilespmem:s30], [sflag:$0x1] =	stream.indirect_vreg.gather [hbm4b:s4+s3], $0x80, v4, vm0, $0xb8;
	[tilespmem:$0x10080] =	vst v63  }
0x1eb: {  	s10 =	simm.s32 $0xD080;
	v3 =	vadd.s32 v1, v3  }
0x1ec: {  	[tilespmem:s10], [sflag:$0x1] =	stream.indirect_vreg.gather [hbm4b:s5+s3], $0x80, v4, vm0, $0xb8;
	[tilespmem:$0x10080] =	vst v63  }
0x1ed: {  	s11 =	simm.s32 $0xD880  }
0x1ee: {  	[tilespmem:s11], [sflag:$0x1] =	stream.indirect_vreg.gather [hbm4b:s6+s3], $0x80, v4, vm0, $0xb8;
	[tilespmem:$0x10080] =	vst v63  }
0x1ef: {  	s24 =	simm.s32 $0xE080  }
0x1f0: {  	[tilespmem:s24], [sflag:$0x1] =	stream.indirect_vreg.gather [hbm4b:s2+s3], $0x80, v3, vm0, $0xb8;
	[tilespmem:$0x10080] =	vst v63  }
0x1f1: {  	s20 =	simm.s32 $0xE880  }
0x1f2: {  	[tilespmem:s20], [sflag:$0x1] =	stream.indirect_vreg.gather [hbm4b:s4+s3], $0x80, v3, vm0, $0xb8;
	[tilespmem:$0x10080] =	vst v63  }
0x1f3: {  	s13 =	simm.s32 $0xF080  }
0x1f4: {  	[tilespmem:s13], [sflag:$0x1] =	stream.indirect_vreg.gather [hbm4b:s5+s3], $0x80, v3, vm0, $0xb8;
	[tilespmem:$0x10080] =	vst v63  }
0x1f5: {  	s21 =	simm.s32 $0xF880  }
0x1f6: {  	[tilespmem:s21], [sflag:$0x1] =	stream.indirect_vreg.gather [hbm4b:s6+s3], $0x80, v3, vm0, $0xb8;
	[tilespmem:$0x10080] =	vst v63  }
0x1f7: {  	_ =	swait.ge [sflag:s18], $0x10000  }
0x1f8: {  	p0 =	sne.s32 s7, $0x1;
	[sflag:s18] =	ssyncset.done $0x0  }
.Ltmp0:
0x1f9: {  	s31 =	rddreg [dreg:$0xd];
	[sflag:s18] =	ssyncadd.s32 $0xFFFF0000;
	(pc) =	sbr.rel @p0 .LBB2_1-.Ltmp0, $4  }
0x1fa: {  	[hbm4b:s31+s3] =	stream.linear.scatter [tilespmem:s23], [sflag:$0x2], $0x10000, $0x38;
	[tilespmem:$0x10080] =	vst v63  }
0x1fb: {  	_ =	swait.ge [sflag:s8], $0x10000  }
0x1fc: {  	[sflag:s8] =	ssyncset.done $0x0  }
0x1fd: {  	s7 =	sadd.s32 $0xFFFFFFFF, s7;
	[sflag:s8] =	ssyncadd.s32 $0xFFFF0000  }
0x1fe: {  	_ =	sfence.sel $0x180000  }
0x1ff: {  	[bflag:$0x0] =	sbarrier.arrive $0xFFFF  }
0x200: {  	_ =	strace $0x90000047  }
0x201: {  	s0 =	stileid.u32;
	[bflag:$0x2] =	sbarrier.arrive $0xFFFF  }
0x202: {  	p0 =	sne.s32 s0, $0x0;
	s0 =	rddreg [dreg:$0x3]  }
0x203: {  	s0 =	sadd.s32 @!p0 $0x100000, s0  }
0x204: {  	[sflag:s0] =	ssyncadd.tile.s32 @!p0 $0x1;
	_ =	shalt  }
.Lfunc_end2:
_tile_overlayer_lowered:
.L_overlay_start_2:
0x205: {  	(tag) =	ssettag $0x2  }
0x206: {  	s0 =	rddreg [dreg:$0x0];
	s2 =	stileid.u32  }
0x207: {  	s1 =	rddreg [dreg:$0x1];
	p0 =	sne.s32 s2, $0x0  }
0x208: {  	s3 =	rddreg [dreg:$0x2];
	[bflag:$0x3] =	sbarrier.arrive $0xFFFF;
	s2 =	simm.s32 @!p0 $0x1C02  }
0x209: {  	[timem:s3], [sflag:s2] =	dma.local @!p0 [hbm:s0], s1  }
0x20a: {  	s0 =	simm.s32 @!p0 $0x2  }
0x20b: {  	_ =	swait.ge @!p0 [sflag:s0], s1  }
0x20c: {  	s1 =	ssub.s32 @!p0 $0x0, s1;
	[sflag:s0] =	ssyncset.done @!p0 $0x0  }
0x20d: {  	[sflag:s0] =	ssyncadd.s32 @!p0 s1  }
0x20e: {  	[bflag:$0x3] =	sbarrier.arrive $0xFFFF  }
0x20f: {  	_ =	shalt  }

</sc_bundles>
